<compile_context>
chip_gen: v7x
topology: tpu7x:2x2x1
jax: 0.10.2.dev20260603
libtpu: 0.0.44.dev20260713+nightly
codegen_flags: <defaults>
</compile_context>

<pallas_src>
import functools

import jax
import jax.numpy as jnp
from jax import lax
from jax.experimental import pallas as pl
from jax.experimental.pallas import tpu as pltpu
from jax.experimental.pallas import tpu_sc as plsc

N = 10000
E = 320000
D = 128

NC = 2
NS = 16
NW = NC * NS
C = 125
CHUNKS = 80
NP = 10240
RPT = NP // NS
ZB = 80
NBUF = 2
ISL = 4

@jax.jit
def _sc_spmm(x, adj4):

  @functools.partial(
      pl.kernel,
      out_type=jax.ShapeDtypeStruct((NC, NP, D), jnp.float32),
      mesh=plsc.VectorSubcoreMesh(core_axis_name="c", subcore_axis_name="s"),
      scratch_types=[
          pltpu.VMEM((ISL, 2, C), jnp.int32),
          pltpu.VMEM((NBUF, C, D), jnp.float32),
          pltpu.VMEM_SHARED((NP, D), jnp.float32),
          pltpu.SemaphoreType.DMA((NBUF,)),
          pltpu.SemaphoreType.DMA((NBUF,)),
          pltpu.SemaphoreType.DMA((ISL,)),
      ],
  )
  def sc_kernel(x_hbm, adj_hbm, out_hbm, idx_v, rows_v, t_sh, gsem, ssem,
                isem):
    c = lax.axis_index("c")
    s = lax.axis_index("s")
    wid = s * NC + c

    def stage(k, sl):
      return pltpu.make_async_copy(adj_hbm.at[wid, k], idx_v.at[sl],
                                   isem.at[sl])

    def gather(k, b, sl):
      return pltpu.make_async_copy(x_hbm.at[idx_v.at[sl, 0]], rows_v.at[b],
                                   gsem.at[b])

    def scatter(k, b, sl):
      return pltpu.make_async_copy(rows_v.at[b], t_sh.at[idx_v.at[sl, 1]],
                                   ssem.at[b])

    stage(0, 0).start()
    stage(1, 1).start()

    @pl.loop(0, ZB)
    def _(i):
      @pl.loop(0, D, step=16)
      def _(j):
        rows_v[0, i, pl.ds(j, 16)] = jnp.zeros((16,), jnp.float32)

    @pl.loop(0, RPT // ZB)
    def _(k):
      pltpu.sync_copy(rows_v.at[0, pl.ds(0, ZB)],
                      t_sh.at[pl.ds(s * RPT + k * ZB, ZB)])

    plsc.subcore_barrier()

    stage(0, 0).wait()
    gather(0, 0, 0).start()

    @pl.loop(0, CHUNKS, step=ISL)
    def _(i):
      for b in range(ISL):
        k = i + b
        rb = b % NBUF
        gather(k, rb, b).wait()

        @pl.when(k > 0)
        def _():
          scatter(k - 1, (b - 1) % NBUF, (b - 1) % ISL).wait()

        scatter(k, rb, b).start(add=True)

        @pl.when(k + 2 <= CHUNKS - 1)
        def _():
          stage(k + 2, (b + 2) % ISL).start()

        @pl.when(k + 1 <= CHUNKS - 1)
        def _():
          stage(k + 1, (b + 1) % ISL).wait()
          gather(k + 1, (b + 1) % NBUF, (b + 1) % ISL).start()

    scatter(CHUNKS - 1, 1, 3).wait()

    plsc.subcore_barrier()

    NWB = RPT // ZB

    def wb_load(k):
      return pltpu.make_async_copy(t_sh.at[pl.ds(s * RPT + k * ZB, ZB)],
                                   rows_v.at[k % NBUF, pl.ds(0, ZB)],
                                   gsem.at[k % NBUF])

    def wb_store(k):
      return pltpu.make_async_copy(rows_v.at[k % NBUF, pl.ds(0, ZB)],
                                   out_hbm.at[c, pl.ds(s * RPT + k * ZB, ZB)],
                                   ssem.at[k % NBUF])

    wb_load(0).start()
    for k in range(NWB):
      wb_load(k).wait()
      wb_store(k).start()
      if k > 0:
        wb_store(k - 1).wait()
      if k + 1 < NWB:
        wb_load(k + 1).start()
    wb_store(NWB - 1).wait()

  return sc_kernel(x, adj4)


def _mm_body(p_ref, w_ref, z_ref):
  t = p_ref[0] + p_ref[1]
  z_ref[...] = jnp.dot(t, w_ref[...], preferred_element_type=jnp.float32)


@jax.jit
def _mm(parts, weight):
  return pl.pallas_call(
      _mm_body,
      grid=(10,),
      in_specs=[
          pl.BlockSpec((2, N // 10, D), lambda i: (0, i, 0)),
          pl.BlockSpec((D, D), lambda i: (0, 0)),
      ],
      out_specs=pl.BlockSpec((N // 10, D), lambda i: (i, 0)),
      out_shape=jax.ShapeDtypeStruct((N, D), jnp.float32),
  )(parts, weight)


def kernel(x, adj, weight):
  adj4 = adj.reshape(2, NW, CHUNKS, C).transpose(1, 2, 0, 3)
  parts = _sc_spmm(x, adj4)
  return _mm(parts, weight)

# --- scband reference (transcript-rebuilt; emitter-appended) ---
"""Pipeline reference for scband-dist-gconv-6545530159139 (READ-ONLY COPY).

The authoritative reference and input builder live on the scoring server;
editing this copy changes nothing except your own understanding.
"""

import jax, jax.numpy as jnp
import numpy as np

N_NODES = 10000
N_EDGES = 320000
D_IN = 128
D_OUT = 128


def setup_inputs(seed: int = 0) -> dict:
    key = jax.random.key(seed)
    k1, k2, k3 = jax.random.split(key, 3)
    x = jax.random.normal(k1, (N_NODES, D_IN), dtype=jnp.float32)
    adj = jax.random.randint(k2, (2, N_EDGES), 0, N_NODES, dtype=jnp.int32)
    # weight initialized like torch.rand(input_dim, output_dim) -> uniform [0,1)
    weight = jax.random.uniform(k3, (D_IN, D_OUT), dtype=jnp.float32)
    return {"x": x, "adj": adj, "weight": weight}


def reference(x, adj, weight):
    # dist_spmm(adjs, inputs): sparse adjacency (COO edge list) times dense features.
    # T[dst] = sum over edges (src -> dst) of x[src]
    src = adj[0]
    dst = adj[1]
    gathered = jnp.take(x, src, axis=0)            # gather: [E, D_IN]
    T = jax.ops.segment_sum(gathered, dst, num_segments=N_NODES)  # scatter-add: [N, D_IN]
    # Z = T @ W
    Z = jnp.dot(T, weight)
    return Z

if __name__ == "__main__":
    import jax
    _d = setup_inputs()
    print(jax.jit(kernel)(*tuple(_d.values())))

</pallas_src>

<mosaic_0001>
#map = affine_map<(d0, d1) -> (0, 0)>
#map1 = affine_map<(d0, d1) -> (0, 0, 0, 0)>
#map2 = affine_map<(d0, d1) -> (0, 0, 0)>
module attributes {stable_mosaic.version = 14 : i64} {
  func.func @sc_kernel(%arg0: i32, %arg1: i32, %arg2: memref<10000x128xf32, #tpu.memory_space<hbm>>, %arg3: memref<32x80x2x125xi32, #tpu.memory_space<hbm>>, %arg4: memref<2x10240x128xf32, #tpu.memory_space<hbm>>, %arg5: memref<4x2x125xi32, #tpu.memory_space<vmem>>, %arg6: memref<2x125x128xf32, #tpu.memory_space<vmem>>, %arg7: memref<10240x128xf32, #tpu.memory_space<vmem_shared>>, %arg8: memref<2x!tpu.dma_semaphore, #tpu.memory_space<semaphore_mem>>, %arg9: memref<2x!tpu.dma_semaphore, #tpu.memory_space<semaphore_mem>>, %arg10: memref<4x!tpu.dma_semaphore, #tpu.memory_space<semaphore_mem>>) attributes {dimension_semantics = [#tpu.dimension_semantics<core_parallel>, #tpu.dimension_semantics<subcore_parallel>], iteration_bounds = array<i64: 2, 16>, scalar_prefetch = 0 : i64, scratch_operands = 6 : i64, tpu.core_type = #tpu.core_type<sc_vector_subcore>, window_params = [{transform_indices = #map}, {transform_indices = #map1}, {transform_indices = #map2}]} {
    %mul3A = arith.constant 2 : i32
    %mul3A_0 = arith.muli %arg1, %mul3A : i32
    %add3A = arith.addi %mul3A_0, %arg0 : i32
    %dma_start3A = arith.constant 0 : i32
    %dma_start3A_1 = arith.constant 0 : i32
    %dma_start3A_2 = arith.constant 0 : i32
    %dma_start3A_3 = arith.constant 0 : i32
    %dma_start3A_4 = arith.constant 0 : i32
    %dma_start3A_5 = tpu.memref_slice %arg5[%dma_start3A_1, %dma_start3A_3, %dma_start3A_4] : memref<4x2x125xi32, #tpu.memory_space<vmem>> -> memref<1x2x125xi32, #tpu.memory_space<vmem>>
    %dma_start3A_6 = tpu.memref_squeeze %dma_start3A_5 : memref<1x2x125xi32, #tpu.memory_space<vmem>> -> memref<2x125xi32, #tpu.memory_space<vmem>>
    %dma_start3A_7 = arith.constant 0 : i32
    %dma_start3A_8 = arith.constant 0 : i32
    %dma_start3A_9 = tpu.memref_slice %arg3[%add3A, %dma_start3A, %dma_start3A_7, %dma_start3A_8] : memref<32x80x2x125xi32, #tpu.memory_space<hbm>> -> memref<1x1x2x125xi32, #tpu.memory_space<hbm>>
    %dma_start3A_10 = tpu.memref_squeeze %dma_start3A_9 : memref<1x1x2x125xi32, #tpu.memory_space<hbm>> -> memref<2x125xi32, #tpu.memory_space<hbm>>
    %dma_start3A_11 = tpu.memref_slice %arg10[%dma_start3A_2] : memref<4x!tpu.dma_semaphore, #tpu.memory_space<semaphore_mem>> -> memref<1x!tpu.dma_semaphore, #tpu.memory_space<semaphore_mem>>
    %dma_start3A_12 = tpu.memref_squeeze %dma_start3A_11 : memref<1x!tpu.dma_semaphore, #tpu.memory_space<semaphore_mem>> -> memref<!tpu.dma_semaphore, #tpu.memory_space<semaphore_mem>>
    %dma_start3A_13 = arith.constant 0 : i32
    %dma_start3A_14 = arith.constant 0 : i32
    %dma_start3A_15 = tpu.memref_slice %arg5[%dma_start3A_1, %dma_start3A_13, %dma_start3A_14] : memref<4x2x125xi32, #tpu.memory_space<vmem>> -> memref<1x2x125xi32, #tpu.memory_space<vmem>>
    %dma_start3A_16 = tpu.memref_squeeze %dma_start3A_15 : memref<1x2x125xi32, #tpu.memory_space<vmem>> -> memref<2x125xi32, #tpu.memory_space<vmem>>
    %dma_start3A_17 = arith.constant 0 : i32
    %dma_start3A_18 = arith.constant 0 : i32
    %dma_start3A_19 = tpu.memref_slice %arg3[%add3A, %dma_start3A, %dma_start3A_17, %dma_start3A_18] : memref<32x80x2x125xi32, #tpu.memory_space<hbm>> -> memref<1x1x2x125xi32, #tpu.memory_space<hbm>>
    %dma_start3A_20 = tpu.memref_squeeze %dma_start3A_19 : memref<1x1x2x125xi32, #tpu.memory_space<hbm>> -> memref<2x125xi32, #tpu.memory_space<hbm>>
    tpu.enqueue_dma source(%dma_start3A_20 : memref<2x125xi32, #tpu.memory_space<hbm>>) target(%dma_start3A_16 : memref<2x125xi32, #tpu.memory_space<vmem>>) target_semaphore(%dma_start3A_12 : memref<!tpu.dma_semaphore, #tpu.memory_space<semaphore_mem>>)
    %dma_start3A_21 = arith.constant 1 : i32
    %dma_start3A_22 = arith.constant 1 : i32
    %dma_start3A_23 = arith.constant 1 : i32
    %dma_start3A_24 = arith.constant 0 : i32
    %dma_start3A_25 = arith.constant 0 : i32
    %dma_start3A_26 = tpu.memref_slice %arg5[%dma_start3A_22, %dma_start3A_24, %dma_start3A_25] : memref<4x2x125xi32, #tpu.memory_space<vmem>> -> memref<1x2x125xi32, #tpu.memory_space<vmem>>
    %dma_start3A_27 = tpu.memref_squeeze %dma_start3A_26 : memref<1x2x125xi32, #tpu.memory_space<vmem>> -> memref<2x125xi32, #tpu.memory_space<vmem>>
    %dma_start3A_28 = arith.constant 0 : i32
    %dma_start3A_29 = arith.constant 0 : i32
    %dma_start3A_30 = tpu.memref_slice %arg3[%add3A, %dma_start3A_21, %dma_start3A_28, %dma_start3A_29] : memref<32x80x2x125xi32, #tpu.memory_space<hbm>> -> memref<1x1x2x125xi32, #tpu.memory_space<hbm>>
    %dma_start3A_31 = tpu.memref_squeeze %dma_start3A_30 : memref<1x1x2x125xi32, #tpu.memory_space<hbm>> -> memref<2x125xi32, #tpu.memory_space<hbm>>
    %dma_start3A_32 = tpu.memref_slice %arg10[%dma_start3A_23] : memref<4x!tpu.dma_semaphore, #tpu.memory_space<semaphore_mem>> -> memref<1x!tpu.dma_semaphore, #tpu.memory_space<semaphore_mem>>
    %dma_start3A_33 = tpu.memref_squeeze %dma_start3A_32 : memref<1x!tpu.dma_semaphore, #tpu.memory_space<semaphore_mem>> -> memref<!tpu.dma_semaphore, #tpu.memory_space<semaphore_mem>>
    %dma_start3A_34 = arith.constant 0 : i32
    %dma_start3A_35 = arith.constant 0 : i32
    %dma_start3A_36 = tpu.memref_slice %arg5[%dma_start3A_22, %dma_start3A_34, %dma_start3A_35] : memref<4x2x125xi32, #tpu.memory_space<vmem>> -> memref<1x2x125xi32, #tpu.memory_space<vmem>>
    %dma_start3A_37 = tpu.memref_squeeze %dma_start3A_36 : memref<1x2x125xi32, #tpu.memory_space<vmem>> -> memref<2x125xi32, #tpu.memory_space<vmem>>
    %dma_start3A_38 = arith.constant 0 : i32
    %dma_start3A_39 = arith.constant 0 : i32
    %dma_start3A_40 = tpu.memref_slice %arg3[%add3A, %dma_start3A_21, %dma_start3A_38, %dma_start3A_39] : memref<32x80x2x125xi32, #tpu.memory_space<hbm>> -> memref<1x1x2x125xi32, #tpu.memory_space<hbm>>
    %dma_start3A_41 = tpu.memref_squeeze %dma_start3A_40 : memref<1x1x2x125xi32, #tpu.memory_space<hbm>> -> memref<2x125xi32, #tpu.memory_space<hbm>>
    tpu.enqueue_dma source(%dma_start3A_41 : memref<2x125xi32, #tpu.memory_space<hbm>>) target(%dma_start3A_37 : memref<2x125xi32, #tpu.memory_space<vmem>>) target_semaphore(%dma_start3A_33 : memref<!tpu.dma_semaphore, #tpu.memory_space<semaphore_mem>>)
    %scan3A = arith.constant 0 : i32
    %scan3A_42 = arith.constant 80 : i32
    %scan3A_43 = arith.addi %scan3A, %scan3A_42 : i32
    %scan3A_44 = arith.constant 1 : i32
    scf.for %scan3A_781 = %scan3A to %scan3A_43 step %scan3A_44  : i32 {
      %mul3A_782 = arith.constant 1 : i32
      %mul3A_783 = arith.muli %scan3A_781, %mul3A_782 : i32
      %add3A_784 = arith.constant 0 : i32
      %add3A_785 = arith.addi %add3A_784, %mul3A_783 : i32
      %scan3A_786 = arith.constant 0 : i32
      %scan3A_787 = arith.constant 8 : i32
      %scan3A_788 = arith.addi %scan3A_786, %scan3A_787 : i32
      %scan3A_789 = arith.constant 1 : i32
      scf.for %scan3A_791 = %scan3A_786 to %scan3A_788 step %scan3A_789  : i32 {
        %mul3A_792 = arith.constant 16 : i32
        %mul3A_793 = arith.muli %scan3A_791, %mul3A_792 : i32
        %add3A_794 = arith.constant 0 : i32
        %add3A_795 = arith.addi %add3A_794, %mul3A_793 : i32
        %broadcast_in_dim3A = arith.constant 0.000000e+00 : f32
        %broadcast_in_dim3A_796 = vector.broadcast %broadcast_in_dim3A : f32 to vector<16xf32>
        %swap3A = arith.constant 0 : i32
        %swap3A_797 = arith.index_cast %swap3A : i32 to index
        %swap3A_798 = arith.index_cast %add3A_785 : i32 to index
        %swap3A_799 = arith.index_cast %add3A_795 : i32 to index
        %swap3A_800 = tpu.vector_load %arg6[%swap3A_797, %swap3A_798, %swap3A_799] {strides = array<i32>} : memref<2x125x128xf32, #tpu.memory_space<vmem>>, vector<1x1x16xf32>,
        %swap3A_801 = vector.shape_cast %swap3A_800 : vector<1x1x16xf32> to vector<16xf32>
        %swap3A_802 = vector.shape_cast %broadcast_in_dim3A_796 : vector<16xf32> to vector<1x1x16xf32>
        tpu.vector_store %arg6[%swap3A_797, %swap3A_798, %swap3A_799], %swap3A_802 {strides = array<i32>} : memref<2x125x128xf32, #tpu.memory_space<vmem>>, vector<1x1x16xf32>,
      }
      %scan3A_790 = arith.constant 8 : i32
    }
    %scan3A_45 = arith.constant 80 : i32
    %scan3A_46 = arith.constant 0 : i32
    %scan3A_47 = arith.constant 8 : i32
    %scan3A_48 = arith.addi %scan3A_46, %scan3A_47 : i32
    %scan3A_49 = arith.constant 1 : i32
    scf.for %scan3A_781 = %scan3A_46 to %scan3A_48 step %scan3A_49  : i32 {
      %mul3A_782 = arith.constant 1 : i32
      %mul3A_783 = arith.muli %scan3A_781, %mul3A_782 : i32
      %add3A_784 = arith.constant 0 : i32
      %add3A_785 = arith.addi %add3A_784, %mul3A_783 : i32
      %mul3A_786 = arith.constant 640 : i32
      %mul3A_787 = arith.muli %arg1, %mul3A_786 : i32
      %mul3A_788 = arith.constant 80 : i32
      %mul3A_789 = arith.muli %add3A_785, %mul3A_788 : i32
      %add3A_790 = arith.addi %mul3A_787, %mul3A_789 : i32
      %run_scoped3A = arith.constant 0 : i32
      "tpu.region"() ({
        %run_scoped3A_791 = tpu.sem_alloc : memref<!tpu.dma_semaphore, #tpu.memory_space<semaphore_mem>>
        %dma_start3A_792 = arith.constant 0 : i32
        %dma_start3A_793 = arith.constant 0 : i32
        %dma_start3A_794 = tpu.memref_slice %arg6[%run_scoped3A, %dma_start3A_792, %dma_start3A_793] : memref<2x125x128xf32, #tpu.memory_space<vmem>> -> memref<1x80x128xf32, #tpu.memory_space<vmem>>
        %dma_start3A_795 = tpu.memref_squeeze %dma_start3A_794 : memref<1x80x128xf32, #tpu.memory_space<vmem>> -> memref<80x128xf32, #tpu.memory_space<vmem>>
        %dma_start3A_796 = arith.constant 0 : i32
        %dma_start3A_797 = tpu.memref_slice %arg7[%add3A_790, %dma_start3A_796] : memref<10240x128xf32, #tpu.memory_space<vmem_shared>> -> memref<80x128xf32, #tpu.memory_space<vmem_shared>>
        %dma_start3A_798 = arith.constant 0 : i32
        %dma_start3A_799 = tpu.memref_slice %arg7[%add3A_790, %dma_start3A_798] : memref<10240x128xf32, #tpu.memory_space<vmem_shared>> -> memref<80x128xf32, #tpu.memory_space<vmem_shared>>
        %dma_start3A_800 = arith.constant 0 : i32
        %dma_start3A_801 = arith.constant 0 : i32
        %dma_start3A_802 = tpu.memref_slice %arg6[%run_scoped3A, %dma_start3A_800, %dma_start3A_801] : memref<2x125x128xf32, #tpu.memory_space<vmem>> -> memref<1x80x128xf32, #tpu.memory_space<vmem>>
        %dma_start3A_803 = tpu.memref_squeeze %dma_start3A_802 : memref<1x80x128xf32, #tpu.memory_space<vmem>> -> memref<80x128xf32, #tpu.memory_space<vmem>>
        tpu.enqueue_dma source(%dma_start3A_803 : memref<80x128xf32, #tpu.memory_space<vmem>>) target(%dma_start3A_799 : memref<80x128xf32, #tpu.memory_space<vmem_shared>>) target_semaphore(%run_scoped3A_791 : memref<!tpu.dma_semaphore, #tpu.memory_space<semaphore_mem>>)
        %dma_wait3A_804 = arith.constant 0 : i32
        %dma_wait3A_805 = arith.constant 0 : i32
        %dma_wait3A_806 = tpu.memref_slice %arg6[%run_scoped3A, %dma_wait3A_804, %dma_wait3A_805] : memref<2x125x128xf32, #tpu.memory_space<vmem>> -> memref<1x80x128xf32, #tpu.memory_space<vmem>>
        %dma_wait3A_807 = tpu.memref_squeeze %dma_wait3A_806 : memref<1x80x128xf32, #tpu.memory_space<vmem>> -> memref<80x128xf32, #tpu.memory_space<vmem>>
        %dma_wait3A_808 = arith.constant 0 : i32
        %dma_wait3A_809 = tpu.memref_slice %arg7[%add3A_790, %dma_wait3A_808] : memref<10240x128xf32, #tpu.memory_space<vmem_shared>> -> memref<80x128xf32, #tpu.memory_space<vmem_shared>>
        %dma_wait3A_810 = arith.constant 0 : i32
        %dma_wait3A_811 = tpu.memref_slice %arg7[%add3A_790, %dma_wait3A_810] : memref<10240x128xf32, #tpu.memory_space<vmem_shared>> -> memref<80x128xf32, #tpu.memory_space<vmem_shared>>
        %dma_wait3A_812 = arith.constant 0 : i32
        %dma_wait3A_813 = arith.constant 0 : i32
        %dma_wait3A_814 = tpu.memref_slice %arg6[%run_scoped3A, %dma_wait3A_812, %dma_wait3A_813] : memref<2x125x128xf32, #tpu.memory_space<vmem>> -> memref<1x80x128xf32, #tpu.memory_space<vmem>>
        %dma_wait3A_815 = tpu.memref_squeeze %dma_wait3A_814 : memref<1x80x128xf32, #tpu.memory_space<vmem>> -> memref<80x128xf32, #tpu.memory_space<vmem>>
        tpu.wait_dma2 semaphore(%run_scoped3A_791 : memref<!tpu.dma_semaphore, #tpu.memory_space<semaphore_mem>>) src(%dma_wait3A_815 : memref<80x128xf32, #tpu.memory_space<vmem>>) dst(%dma_wait3A_811 : memref<80x128xf32, #tpu.memory_space<vmem_shared>>)
        tpu.yield
      }) : () -> ()
    }
    %scan3A_50 = arith.constant 8 : i32
    %barrier3A = arith.constant 0 : index
    tpu.barrier barrier_id(%barrier3A)
    %dma_wait3A = arith.constant 0 : i32
    %dma_wait3A_51 = arith.constant 0 : i32
    %dma_wait3A_52 = arith.constant 0 : i32
    %dma_wait3A_53 = arith.constant 0 : i32
    %dma_wait3A_54 = arith.constant 0 : i32
    %dma_wait3A_55 = tpu.memref_slice %arg5[%dma_wait3A_51, %dma_wait3A_53, %dma_wait3A_54] : memref<4x2x125xi32, #tpu.memory_space<vmem>> -> memref<1x2x125xi32, #tpu.memory_space<vmem>>
    %dma_wait3A_56 = tpu.memref_squeeze %dma_wait3A_55 : memref<1x2x125xi32, #tpu.memory_space<vmem>> -> memref<2x125xi32, #tpu.memory_space<vmem>>
    %dma_wait3A_57 = arith.constant 0 : i32
    %dma_wait3A_58 = arith.constant 0 : i32
    %dma_wait3A_59 = tpu.memref_slice %arg3[%add3A, %dma_wait3A, %dma_wait3A_57, %dma_wait3A_58] : memref<32x80x2x125xi32, #tpu.memory_space<hbm>> -> memref<1x1x2x125xi32, #tpu.memory_space<hbm>>
    %dma_wait3A_60 = tpu.memref_squeeze %dma_wait3A_59 : memref<1x1x2x125xi32, #tpu.memory_space<hbm>> -> memref<2x125xi32, #tpu.memory_space<hbm>>
    %dma_wait3A_61 = tpu.memref_slice %arg10[%dma_wait3A_52] : memref<4x!tpu.dma_semaphore, #tpu.memory_space<semaphore_mem>> -> memref<1x!tpu.dma_semaphore, #tpu.memory_space<semaphore_mem>>
    %dma_wait3A_62 = tpu.memref_squeeze %dma_wait3A_61 : memref<1x!tpu.dma_semaphore, #tpu.memory_space<semaphore_mem>> -> memref<!tpu.dma_semaphore, #tpu.memory_space<semaphore_mem>>
    %dma_wait3A_63 = arith.constant 0 : i32
    %dma_wait3A_64 = arith.constant 0 : i32
    %dma_wait3A_65 = tpu.memref_slice %arg5[%dma_wait3A_51, %dma_wait3A_63, %dma_wait3A_64] : memref<4x2x125xi32, #tpu.memory_space<vmem>> -> memref<1x2x125xi32, #tpu.memory_space<vmem>>
    %dma_wait3A_66 = tpu.memref_squeeze %dma_wait3A_65 : memref<1x2x125xi32, #tpu.memory_space<vmem>> -> memref<2x125xi32, #tpu.memory_space<vmem>>
    %dma_wait3A_67 = arith.constant 0 : i32
    %dma_wait3A_68 = arith.constant 0 : i32
    %dma_wait3A_69 = tpu.memref_slice %arg3[%add3A, %dma_wait3A, %dma_wait3A_67, %dma_wait3A_68] : memref<32x80x2x125xi32, #tpu.memory_space<hbm>> -> memref<1x1x2x125xi32, #tpu.memory_space<hbm>>
    %dma_wait3A_70 = tpu.memref_squeeze %dma_wait3A_69 : memref<1x1x2x125xi32, #tpu.memory_space<hbm>> -> memref<2x125xi32, #tpu.memory_space<hbm>>
    tpu.wait_dma2 semaphore(%dma_wait3A_62 : memref<!tpu.dma_semaphore, #tpu.memory_space<semaphore_mem>>) src(%dma_wait3A_70 : memref<2x125xi32, #tpu.memory_space<hbm>>) dst(%dma_wait3A_66 : memref<2x125xi32, #tpu.memory_space<vmem>>)
    %dma_start3A_71 = arith.constant 0 : i32
    %dma_start3A_72 = arith.constant 0 : i32
    %dma_start3A_73 = arith.constant 0 : i32
    %dma_start3A_74 = arith.constant 0 : i32
    %dma_start3A_75 = arith.constant 0 : i32
    %dma_start3A_76 = arith.constant 0 : i32
    %dma_start3A_77 = tpu.memref_slice %arg6[%dma_start3A_73, %dma_start3A_75, %dma_start3A_76] : memref<2x125x128xf32, #tpu.memory_space<vmem>> -> memref<1x125x128xf32, #tpu.memory_space<vmem>>
    %dma_start3A_78 = tpu.memref_squeeze %dma_start3A_77 : memref<1x125x128xf32, #tpu.memory_space<vmem>> -> memref<125x128xf32, #tpu.memory_space<vmem>>
    %dma_start3A_79 = arith.constant 0 : i32
    %dma_start3A_80 = tpu.memref_slice %arg5[%dma_start3A_71, %dma_start3A_72, %dma_start3A_79] : memref<4x2x125xi32, #tpu.memory_space<vmem>> -> memref<1x1x125xi32, #tpu.memory_space<vmem>>
    %dma_start3A_81 = tpu.memref_squeeze %dma_start3A_80 : memref<1x1x125xi32, #tpu.memory_space<vmem>> -> memref<125xi32, #tpu.memory_space<vmem>>
    %dma_start3A_82 = arith.constant 0 : i32
    %dma_start3A_83 = arith.constant 0 : i32
    %dma_start3A_84 = tpu.memref_slice %arg2[%dma_start3A_82, %dma_start3A_83] : memref<10000x128xf32, #tpu.memory_space<hbm>> -> memref<10000x128xf32, #tpu.memory_space<hbm>>
    %dma_start3A_85 = tpu.memref_slice %arg8[%dma_start3A_74] : memref<2x!tpu.dma_semaphore, #tpu.memory_space<semaphore_mem>> -> memref<1x!tpu.dma_semaphore, #tpu.memory_space<semaphore_mem>>
    %dma_start3A_86 = tpu.memref_squeeze %dma_start3A_85 : memref<1x!tpu.dma_semaphore, #tpu.memory_space<semaphore_mem>> -> memref<!tpu.dma_semaphore, #tpu.memory_space<semaphore_mem>>
    tpu.enqueue_indirect_dma source(%dma_start3A_84 : memref<10000x128xf32, #tpu.memory_space<hbm>>) target(%dma_start3A_78 : memref<125x128xf32, #tpu.memory_space<vmem>>) offsets(%dma_start3A_81 : memref<125xi32, #tpu.memory_space<vmem>>) semaphore(%dma_start3A_86 : memref<!tpu.dma_semaphore, #tpu.memory_space<semaphore_mem>>)
    %scan3A_87 = arith.constant 0 : i32
    %scan3A_88 = arith.constant 20 : i32
    %scan3A_89 = arith.addi %scan3A_87, %scan3A_88 : i32
    %scan3A_90 = arith.constant 1 : i32
    scf.for %scan3A_781 = %scan3A_87 to %scan3A_89 step %scan3A_90  : i32 {
      %mul3A_782 = arith.constant 4 : i32
      %mul3A_783 = arith.muli %scan3A_781, %mul3A_782 : i32
      %add3A_784 = arith.constant 0 : i32
      %add3A_785 = arith.addi %add3A_784, %mul3A_783 : i32
      %add3A_786 = arith.constant 0 : i32
      %add3A_787 = arith.addi %add3A_785, %add3A_786 : i32
      %dma_wait3A_788 = arith.constant 0 : i32
      %dma_wait3A_789 = arith.constant 0 : i32
      %dma_wait3A_790 = arith.constant 0 : i32
      %dma_wait3A_791 = arith.constant 0 : i32
      %dma_wait3A_792 = arith.constant 0 : i32
      %dma_wait3A_793 = arith.constant 0 : i32
      %dma_wait3A_794 = tpu.memref_slice %arg6[%dma_wait3A_790, %dma_wait3A_792, %dma_wait3A_793] : memref<2x125x128xf32, #tpu.memory_space<vmem>> -> memref<1x125x128xf32, #tpu.memory_space<vmem>>
      %dma_wait3A_795 = tpu.memref_squeeze %dma_wait3A_794 : memref<1x125x128xf32, #tpu.memory_space<vmem>> -> memref<125x128xf32, #tpu.memory_space<vmem>>
      %dma_wait3A_796 = arith.constant 0 : i32
      %dma_wait3A_797 = tpu.memref_slice %arg5[%dma_wait3A_788, %dma_wait3A_789, %dma_wait3A_796] : memref<4x2x125xi32, #tpu.memory_space<vmem>> -> memref<1x1x125xi32, #tpu.memory_space<vmem>>
      %dma_wait3A_798 = tpu.memref_squeeze %dma_wait3A_797 : memref<1x1x125xi32, #tpu.memory_space<vmem>> -> memref<125xi32, #tpu.memory_space<vmem>>
      %dma_wait3A_799 = arith.constant 0 : i32
      %dma_wait3A_800 = arith.constant 0 : i32
      %dma_wait3A_801 = tpu.memref_slice %arg2[%dma_wait3A_799, %dma_wait3A_800] : memref<10000x128xf32, #tpu.memory_space<hbm>> -> memref<10000x128xf32, #tpu.memory_space<hbm>>
      %dma_wait3A_802 = tpu.memref_slice %arg8[%dma_wait3A_791] : memref<2x!tpu.dma_semaphore, #tpu.memory_space<semaphore_mem>> -> memref<1x!tpu.dma_semaphore, #tpu.memory_space<semaphore_mem>>
      %dma_wait3A_803 = tpu.memref_squeeze %dma_wait3A_802 : memref<1x!tpu.dma_semaphore, #tpu.memory_space<semaphore_mem>> -> memref<!tpu.dma_semaphore, #tpu.memory_space<semaphore_mem>>
      tpu.wait_indirect_dma semaphore(%dma_wait3A_803 : memref<!tpu.dma_semaphore, #tpu.memory_space<semaphore_mem>>) src(%dma_wait3A_801 : memref<10000x128xf32, #tpu.memory_space<hbm>>) dst(%dma_wait3A_795 : memref<125x128xf32, #tpu.memory_space<vmem>>)
      %gt3A = arith.constant 0 : i32
      %gt3A_804 = arith.cmpi sgt, %add3A_787, %gt3A : i32
      %convert_element_type3A = arith.extui %gt3A_804 : i1 to i32
      %cond3A = arith.constant 0 : i32
      %cond3A_805 = arith.cmpi ne, %convert_element_type3A, %cond3A : i32
      scf.if %cond3A_805 {
        %sub3A = arith.constant 1 : i32
        %sub3A_994 = arith.subi %add3A_787, %sub3A : i32
        %dma_wait3A_995 = arith.constant 1 : i32
        %dma_wait3A_996 = arith.constant 3 : i32
        %dma_wait3A_997 = arith.constant 1 : i32
        %dma_wait3A_998 = arith.constant 1 : i32
        %dma_wait3A_999 = arith.constant 0 : i32
        %dma_wait3A_1000 = arith.constant 0 : i32
        %dma_wait3A_1001 = tpu.memref_slice %arg6[%dma_wait3A_995, %dma_wait3A_999, %dma_wait3A_1000] : memref<2x125x128xf32, #tpu.memory_space<vmem>> -> memref<1x125x128xf32, #tpu.memory_space<vmem>>
        %dma_wait3A_1002 = tpu.memref_squeeze %dma_wait3A_1001 : memref<1x125x128xf32, #tpu.memory_space<vmem>> -> memref<125x128xf32, #tpu.memory_space<vmem>>
        %dma_wait3A_1003 = arith.constant 0 : i32
        %dma_wait3A_1004 = tpu.memref_slice %arg5[%dma_wait3A_996, %dma_wait3A_997, %dma_wait3A_1003] : memref<4x2x125xi32, #tpu.memory_space<vmem>> -> memref<1x1x125xi32, #tpu.memory_space<vmem>>
        %dma_wait3A_1005 = tpu.memref_squeeze %dma_wait3A_1004 : memref<1x1x125xi32, #tpu.memory_space<vmem>> -> memref<125xi32, #tpu.memory_space<vmem>>
        %dma_wait3A_1006 = arith.constant 0 : i32
        %dma_wait3A_1007 = arith.constant 0 : i32
        %dma_wait3A_1008 = tpu.memref_slice %arg7[%dma_wait3A_1006, %dma_wait3A_1007] : memref<10240x128xf32, #tpu.memory_space<vmem_shared>> -> memref<10240x128xf32, #tpu.memory_space<vmem_shared>>
        %dma_wait3A_1009 = tpu.memref_slice %arg9[%dma_wait3A_998] : memref<2x!tpu.dma_semaphore, #tpu.memory_space<semaphore_mem>> -> memref<1x!tpu.dma_semaphore, #tpu.memory_space<semaphore_mem>>
        %dma_wait3A_1010 = tpu.memref_squeeze %dma_wait3A_1009 : memref<1x!tpu.dma_semaphore, #tpu.memory_space<semaphore_mem>> -> memref<!tpu.dma_semaphore, #tpu.memory_space<semaphore_mem>>
        tpu.wait_indirect_dma semaphore(%dma_wait3A_1010 : memref<!tpu.dma_semaphore, #tpu.memory_space<semaphore_mem>>) src(%dma_wait3A_1002 : memref<125x128xf32, #tpu.memory_space<vmem>>) dst(%dma_wait3A_1008 : memref<10240x128xf32, #tpu.memory_space<vmem_shared>>)
      } else {
      }
      %dma_start3A_806 = arith.constant 0 : i32
      %dma_start3A_807 = arith.constant 0 : i32
      %dma_start3A_808 = arith.constant 1 : i32
      %dma_start3A_809 = arith.constant 0 : i32
      %dma_start3A_810 = arith.constant 0 : i32
      %dma_start3A_811 = arith.constant 0 : i32
      %dma_start3A_812 = tpu.memref_slice %arg6[%dma_start3A_806, %dma_start3A_810, %dma_start3A_811] : memref<2x125x128xf32, #tpu.memory_space<vmem>> -> memref<1x125x128xf32, #tpu.memory_space<vmem>>
      %dma_start3A_813 = tpu.memref_squeeze %dma_start3A_812 : memref<1x125x128xf32, #tpu.memory_space<vmem>> -> memref<125x128xf32, #tpu.memory_space<vmem>>
      %dma_start3A_814 = arith.constant 0 : i32
      %dma_start3A_815 = tpu.memref_slice %arg5[%dma_start3A_807, %dma_start3A_808, %dma_start3A_814] : memref<4x2x125xi32, #tpu.memory_space<vmem>> -> memref<1x1x125xi32, #tpu.memory_space<vmem>>
      %dma_start3A_816 = tpu.memref_squeeze %dma_start3A_815 : memref<1x1x125xi32, #tpu.memory_space<vmem>> -> memref<125xi32, #tpu.memory_space<vmem>>
      %dma_start3A_817 = arith.constant 0 : i32
      %dma_start3A_818 = arith.constant 0 : i32
      %dma_start3A_819 = tpu.memref_slice %arg7[%dma_start3A_817, %dma_start3A_818] : memref<10240x128xf32, #tpu.memory_space<vmem_shared>> -> memref<10240x128xf32, #tpu.memory_space<vmem_shared>>
      %dma_start3A_820 = tpu.memref_slice %arg9[%dma_start3A_809] : memref<2x!tpu.dma_semaphore, #tpu.memory_space<semaphore_mem>> -> memref<1x!tpu.dma_semaphore, #tpu.memory_space<semaphore_mem>>
      %dma_start3A_821 = tpu.memref_squeeze %dma_start3A_820 : memref<1x!tpu.dma_semaphore, #tpu.memory_space<semaphore_mem>> -> memref<!tpu.dma_semaphore, #tpu.memory_space<semaphore_mem>>
      tpu.enqueue_indirect_dma source(%dma_start3A_813 : memref<125x128xf32, #tpu.memory_space<vmem>>) target(%dma_start3A_819 : memref<10240x128xf32, #tpu.memory_space<vmem_shared>>) offsets(%dma_start3A_816 : memref<125xi32, #tpu.memory_space<vmem>>) semaphore(%dma_start3A_821 : memref<!tpu.dma_semaphore, #tpu.memory_space<semaphore_mem>>) {add = true}
      %add3A_822 = arith.constant 2 : i32
      %add3A_823 = arith.addi %add3A_787, %add3A_822 : i32
      %le3A = arith.constant 79 : i32
      %le3A_824 = arith.cmpi sle, %add3A_823, %le3A : i32
      %convert_element_type3A_825 = arith.extui %le3A_824 : i1 to i32
      %cond3A_826 = arith.constant 0 : i32
      %cond3A_827 = arith.cmpi ne, %convert_element_type3A_825, %cond3A_826 : i32
      scf.if %cond3A_827 {
        %add3A_994 = arith.constant 2 : i32
        %add3A_995 = arith.addi %add3A_787, %add3A_994 : i32
        %dma_start3A_996 = arith.constant 2 : i32
        %dma_start3A_997 = arith.constant 2 : i32
        %dma_start3A_998 = arith.constant 0 : i32
        %dma_start3A_999 = arith.constant 0 : i32
        %dma_start3A_1000 = tpu.memref_slice %arg5[%dma_start3A_996, %dma_start3A_998, %dma_start3A_999] : memref<4x2x125xi32, #tpu.memory_space<vmem>> -> memref<1x2x125xi32, #tpu.memory_space<vmem>>
        %dma_start3A_1001 = tpu.memref_squeeze %dma_start3A_1000 : memref<1x2x125xi32, #tpu.memory_space<vmem>> -> memref<2x125xi32, #tpu.memory_space<vmem>>
        %dma_start3A_1002 = arith.constant 0 : i32
        %dma_start3A_1003 = arith.constant 0 : i32
        %dma_start3A_1004 = tpu.memref_slice %arg3[%add3A, %add3A_995, %dma_start3A_1002, %dma_start3A_1003] : memref<32x80x2x125xi32, #tpu.memory_space<hbm>> -> memref<1x1x2x125xi32, #tpu.memory_space<hbm>>
        %dma_start3A_1005 = tpu.memref_squeeze %dma_start3A_1004 : memref<1x1x2x125xi32, #tpu.memory_space<hbm>> -> memref<2x125xi32, #tpu.memory_space<hbm>>
        %dma_start3A_1006 = tpu.memref_slice %arg10[%dma_start3A_997] : memref<4x!tpu.dma_semaphore, #tpu.memory_space<semaphore_mem>> -> memref<1x!tpu.dma_semaphore, #tpu.memory_space<semaphore_mem>>
        %dma_start3A_1007 = tpu.memref_squeeze %dma_start3A_1006 : memref<1x!tpu.dma_semaphore, #tpu.memory_space<semaphore_mem>> -> memref<!tpu.dma_semaphore, #tpu.memory_space<semaphore_mem>>
        %dma_start3A_1008 = arith.constant 0 : i32
        %dma_start3A_1009 = arith.constant 0 : i32
        %dma_start3A_1010 = tpu.memref_slice %arg5[%dma_start3A_996, %dma_start3A_1008, %dma_start3A_1009] : memref<4x2x125xi32, #tpu.memory_space<vmem>> -> memref<1x2x125xi32, #tpu.memory_space<vmem>>
        %dma_start3A_1011 = tpu.memref_squeeze %dma_start3A_1010 : memref<1x2x125xi32, #tpu.memory_space<vmem>> -> memref<2x125xi32, #tpu.memory_space<vmem>>
        %dma_start3A_1012 = arith.constant 0 : i32
        %dma_start3A_1013 = arith.constant 0 : i32
        %dma_start3A_1014 = tpu.memref_slice %arg3[%add3A, %add3A_995, %dma_start3A_1012, %dma_start3A_1013] : memref<32x80x2x125xi32, #tpu.memory_space<hbm>> -> memref<1x1x2x125xi32, #tpu.memory_space<hbm>>
        %dma_start3A_1015 = tpu.memref_squeeze %dma_start3A_1014 : memref<1x1x2x125xi32, #tpu.memory_space<hbm>> -> memref<2x125xi32, #tpu.memory_space<hbm>>
        tpu.enqueue_dma source(%dma_start3A_1015 : memref<2x125xi32, #tpu.memory_space<hbm>>) target(%dma_start3A_1011 : memref<2x125xi32, #tpu.memory_space<vmem>>) target_semaphore(%dma_start3A_1007 : memref<!tpu.dma_semaphore, #tpu.memory_space<semaphore_mem>>)
      } else {
      }
      %add3A_828 = arith.constant 1 : i32
      %add3A_829 = arith.addi %add3A_787, %add3A_828 : i32
      %le3A_830 = arith.constant 79 : i32
      %le3A_831 = arith.cmpi sle, %add3A_829, %le3A_830 : i32
      %convert_element_type3A_832 = arith.extui %le3A_831 : i1 to i32
      %cond3A_833 = arith.constant 0 : i32
      %cond3A_834 = arith.cmpi ne, %convert_element_type3A_832, %cond3A_833 : i32
      scf.if %cond3A_834 {
        %add3A_994 = arith.constant 1 : i32
        %add3A_995 = arith.addi %add3A_787, %add3A_994 : i32
        %dma_wait3A_996 = arith.constant 1 : i32
        %dma_wait3A_997 = arith.constant 1 : i32
        %dma_wait3A_998 = arith.constant 0 : i32
        %dma_wait3A_999 = arith.constant 0 : i32
        %dma_wait3A_1000 = tpu.memref_slice %arg5[%dma_wait3A_996, %dma_wait3A_998, %dma_wait3A_999] : memref<4x2x125xi32, #tpu.memory_space<vmem>> -> memref<1x2x125xi32, #tpu.memory_space<vmem>>
        %dma_wait3A_1001 = tpu.memref_squeeze %dma_wait3A_1000 : memref<1x2x125xi32, #tpu.memory_space<vmem>> -> memref<2x125xi32, #tpu.memory_space<vmem>>
        %dma_wait3A_1002 = arith.constant 0 : i32
        %dma_wait3A_1003 = arith.constant 0 : i32
        %dma_wait3A_1004 = tpu.memref_slice %arg3[%add3A, %add3A_995, %dma_wait3A_1002, %dma_wait3A_1003] : memref<32x80x2x125xi32, #tpu.memory_space<hbm>> -> memref<1x1x2x125xi32, #tpu.memory_space<hbm>>
        %dma_wait3A_1005 = tpu.memref_squeeze %dma_wait3A_1004 : memref<1x1x2x125xi32, #tpu.memory_space<hbm>> -> memref<2x125xi32, #tpu.memory_space<hbm>>
        %dma_wait3A_1006 = tpu.memref_slice %arg10[%dma_wait3A_997] : memref<4x!tpu.dma_semaphore, #tpu.memory_space<semaphore_mem>> -> memref<1x!tpu.dma_semaphore, #tpu.memory_space<semaphore_mem>>
        %dma_wait3A_1007 = tpu.memref_squeeze %dma_wait3A_1006 : memref<1x!tpu.dma_semaphore, #tpu.memory_space<semaphore_mem>> -> memref<!tpu.dma_semaphore, #tpu.memory_space<semaphore_mem>>
        %dma_wait3A_1008 = arith.constant 0 : i32
        %dma_wait3A_1009 = arith.constant 0 : i32
        %dma_wait3A_1010 = tpu.memref_slice %arg5[%dma_wait3A_996, %dma_wait3A_1008, %dma_wait3A_1009] : memref<4x2x125xi32, #tpu.memory_space<vmem>> -> memref<1x2x125xi32, #tpu.memory_space<vmem>>
        %dma_wait3A_1011 = tpu.memref_squeeze %dma_wait3A_1010 : memref<1x2x125xi32, #tpu.memory_space<vmem>> -> memref<2x125xi32, #tpu.memory_space<vmem>>
        %dma_wait3A_1012 = arith.constant 0 : i32
        %dma_wait3A_1013 = arith.constant 0 : i32
        %dma_wait3A_1014 = tpu.memref_slice %arg3[%add3A, %add3A_995, %dma_wait3A_1012, %dma_wait3A_1013] : memref<32x80x2x125xi32, #tpu.memory_space<hbm>> -> memref<1x1x2x125xi32, #tpu.memory_space<hbm>>
        %dma_wait3A_1015 = tpu.memref_squeeze %dma_wait3A_1014 : memref<1x1x2x125xi32, #tpu.memory_space<hbm>> -> memref<2x125xi32, #tpu.memory_space<hbm>>
        tpu.wait_dma2 semaphore(%dma_wait3A_1007 : memref<!tpu.dma_semaphore, #tpu.memory_space<semaphore_mem>>) src(%dma_wait3A_1015 : memref<2x125xi32, #tpu.memory_space<hbm>>) dst(%dma_wait3A_1011 : memref<2x125xi32, #tpu.memory_space<vmem>>)
        %add3A_1016 = arith.constant 1 : i32
        %add3A_1017 = arith.addi %add3A_787, %add3A_1016 : i32
        %dma_start3A_1018 = arith.constant 1 : i32
        %dma_start3A_1019 = arith.constant 0 : i32
        %dma_start3A_1020 = arith.constant 1 : i32
        %dma_start3A_1021 = arith.constant 1 : i32
        %dma_start3A_1022 = arith.constant 0 : i32
        %dma_start3A_1023 = arith.constant 0 : i32
        %dma_start3A_1024 = tpu.memref_slice %arg6[%dma_start3A_1020, %dma_start3A_1022, %dma_start3A_1023] : memref<2x125x128xf32, #tpu.memory_space<vmem>> -> memref<1x125x128xf32, #tpu.memory_space<vmem>>
        %dma_start3A_1025 = tpu.memref_squeeze %dma_start3A_1024 : memref<1x125x128xf32, #tpu.memory_space<vmem>> -> memref<125x128xf32, #tpu.memory_space<vmem>>
        %dma_start3A_1026 = arith.constant 0 : i32
        %dma_start3A_1027 = tpu.memref_slice %arg5[%dma_start3A_1018, %dma_start3A_1019, %dma_start3A_1026] : memref<4x2x125xi32, #tpu.memory_space<vmem>> -> memref<1x1x125xi32, #tpu.memory_space<vmem>>
        %dma_start3A_1028 = tpu.memref_squeeze %dma_start3A_1027 : memref<1x1x125xi32, #tpu.memory_space<vmem>> -> memref<125xi32, #tpu.memory_space<vmem>>
        %dma_start3A_1029 = arith.constant 0 : i32
        %dma_start3A_1030 = arith.constant 0 : i32
        %dma_start3A_1031 = tpu.memref_slice %arg2[%dma_start3A_1029, %dma_start3A_1030] : memref<10000x128xf32, #tpu.memory_space<hbm>> -> memref<10000x128xf32, #tpu.memory_space<hbm>>
        %dma_start3A_1032 = tpu.memref_slice %arg8[%dma_start3A_1021] : memref<2x!tpu.dma_semaphore, #tpu.memory_space<semaphore_mem>> -> memref<1x!tpu.dma_semaphore, #tpu.memory_space<semaphore_mem>>
        %dma_start3A_1033 = tpu.memref_squeeze %dma_start3A_1032 : memref<1x!tpu.dma_semaphore, #tpu.memory_space<semaphore_mem>> -> memref<!tpu.dma_semaphore, #tpu.memory_space<semaphore_mem>>
        tpu.enqueue_indirect_dma source(%dma_start3A_1031 : memref<10000x128xf32, #tpu.memory_space<hbm>>) target(%dma_start3A_1025 : memref<125x128xf32, #tpu.memory_space<vmem>>) offsets(%dma_start3A_1028 : memref<125xi32, #tpu.memory_space<vmem>>) semaphore(%dma_start3A_1033 : memref<!tpu.dma_semaphore, #tpu.memory_space<semaphore_mem>>)
      } else {
      }
      %add3A_835 = arith.constant 1 : i32
      %add3A_836 = arith.addi %add3A_785, %add3A_835 : i32
      %dma_wait3A_837 = arith.constant 1 : i32
      %dma_wait3A_838 = arith.constant 0 : i32
      %dma_wait3A_839 = arith.constant 1 : i32
      %dma_wait3A_840 = arith.constant 1 : i32
      %dma_wait3A_841 = arith.constant 0 : i32
      %dma_wait3A_842 = arith.constant 0 : i32
      %dma_wait3A_843 = tpu.memref_slice %arg6[%dma_wait3A_839, %dma_wait3A_841, %dma_wait3A_842] : memref<2x125x128xf32, #tpu.memory_space<vmem>> -> memref<1x125x128xf32, #tpu.memory_space<vmem>>
      %dma_wait3A_844 = tpu.memref_squeeze %dma_wait3A_843 : memref<1x125x128xf32, #tpu.memory_space<vmem>> -> memref<125x128xf32, #tpu.memory_space<vmem>>
      %dma_wait3A_845 = arith.constant 0 : i32
      %dma_wait3A_846 = tpu.memref_slice %arg5[%dma_wait3A_837, %dma_wait3A_838, %dma_wait3A_845] : memref<4x2x125xi32, #tpu.memory_space<vmem>> -> memref<1x1x125xi32, #tpu.memory_space<vmem>>
      %dma_wait3A_847 = tpu.memref_squeeze %dma_wait3A_846 : memref<1x1x125xi32, #tpu.memory_space<vmem>> -> memref<125xi32, #tpu.memory_space<vmem>>
      %dma_wait3A_848 = arith.constant 0 : i32
      %dma_wait3A_849 = arith.constant 0 : i32
      %dma_wait3A_850 = tpu.memref_slice %arg2[%dma_wait3A_848, %dma_wait3A_849] : memref<10000x128xf32, #tpu.memory_space<hbm>> -> memref<10000x128xf32, #tpu.memory_space<hbm>>
      %dma_wait3A_851 = tpu.memref_slice %arg8[%dma_wait3A_840] : memref<2x!tpu.dma_semaphore, #tpu.memory_space<semaphore_mem>> -> memref<1x!tpu.dma_semaphore, #tpu.memory_space<semaphore_mem>>
      %dma_wait3A_852 = tpu.memref_squeeze %dma_wait3A_851 : memref<1x!tpu.dma_semaphore, #tpu.memory_space<semaphore_mem>> -> memref<!tpu.dma_semaphore, #tpu.memory_space<semaphore_mem>>
      tpu.wait_indirect_dma semaphore(%dma_wait3A_852 : memref<!tpu.dma_semaphore, #tpu.memory_space<semaphore_mem>>) src(%dma_wait3A_850 : memref<10000x128xf32, #tpu.memory_space<hbm>>) dst(%dma_wait3A_844 : memref<125x128xf32, #tpu.memory_space<vmem>>)
      %gt3A_853 = arith.constant 0 : i32
      %gt3A_854 = arith.cmpi sgt, %add3A_836, %gt3A_853 : i32
      %convert_element_type3A_855 = arith.extui %gt3A_854 : i1 to i32
      %cond3A_856 = arith.constant 0 : i32
      %cond3A_857 = arith.cmpi ne, %convert_element_type3A_855, %cond3A_856 : i32
      scf.if %cond3A_857 {
        %sub3A = arith.constant 1 : i32
        %sub3A_994 = arith.subi %add3A_836, %sub3A : i32
        %dma_wait3A_995 = arith.constant 0 : i32
        %dma_wait3A_996 = arith.constant 0 : i32
        %dma_wait3A_997 = arith.constant 1 : i32
        %dma_wait3A_998 = arith.constant 0 : i32
        %dma_wait3A_999 = arith.constant 0 : i32
        %dma_wait3A_1000 = arith.constant 0 : i32
        %dma_wait3A_1001 = tpu.memref_slice %arg6[%dma_wait3A_995, %dma_wait3A_999, %dma_wait3A_1000] : memref<2x125x128xf32, #tpu.memory_space<vmem>> -> memref<1x125x128xf32, #tpu.memory_space<vmem>>
        %dma_wait3A_1002 = tpu.memref_squeeze %dma_wait3A_1001 : memref<1x125x128xf32, #tpu.memory_space<vmem>> -> memref<125x128xf32, #tpu.memory_space<vmem>>
        %dma_wait3A_1003 = arith.constant 0 : i32
        %dma_wait3A_1004 = tpu.memref_slice %arg5[%dma_wait3A_996, %dma_wait3A_997, %dma_wait3A_1003] : memref<4x2x125xi32, #tpu.memory_space<vmem>> -> memref<1x1x125xi32, #tpu.memory_space<vmem>>
        %dma_wait3A_1005 = tpu.memref_squeeze %dma_wait3A_1004 : memref<1x1x125xi32, #tpu.memory_space<vmem>> -> memref<125xi32, #tpu.memory_space<vmem>>
        %dma_wait3A_1006 = arith.constant 0 : i32
        %dma_wait3A_1007 = arith.constant 0 : i32
        %dma_wait3A_1008 = tpu.memref_slice %arg7[%dma_wait3A_1006, %dma_wait3A_1007] : memref<10240x128xf32, #tpu.memory_space<vmem_shared>> -> memref<10240x128xf32, #tpu.memory_space<vmem_shared>>
        %dma_wait3A_1009 = tpu.memref_slice %arg9[%dma_wait3A_998] : memref<2x!tpu.dma_semaphore, #tpu.memory_space<semaphore_mem>> -> memref<1x!tpu.dma_semaphore, #tpu.memory_space<semaphore_mem>>
        %dma_wait3A_1010 = tpu.memref_squeeze %dma_wait3A_1009 : memref<1x!tpu.dma_semaphore, #tpu.memory_space<semaphore_mem>> -> memref<!tpu.dma_semaphore, #tpu.memory_space<semaphore_mem>>
        tpu.wait_indirect_dma semaphore(%dma_wait3A_1010 : memref<!tpu.dma_semaphore, #tpu.memory_space<semaphore_mem>>) src(%dma_wait3A_1002 : memref<125x128xf32, #tpu.memory_space<vmem>>) dst(%dma_wait3A_1008 : memref<10240x128xf32, #tpu.memory_space<vmem_shared>>)
      } else {
      }
      %dma_start3A_858 = arith.constant 1 : i32
      %dma_start3A_859 = arith.constant 1 : i32
      %dma_start3A_860 = arith.constant 1 : i32
      %dma_start3A_861 = arith.constant 1 : i32
      %dma_start3A_862 = arith.constant 0 : i32
      %dma_start3A_863 = arith.constant 0 : i32
      %dma_start3A_864 = tpu.memref_slice %arg6[%dma_start3A_858, %dma_start3A_862, %dma_start3A_863] : memref<2x125x128xf32, #tpu.memory_space<vmem>> -> memref<1x125x128xf32, #tpu.memory_space<vmem>>
      %dma_start3A_865 = tpu.memref_squeeze %dma_start3A_864 : memref<1x125x128xf32, #tpu.memory_space<vmem>> -> memref<125x128xf32, #tpu.memory_space<vmem>>
      %dma_start3A_866 = arith.constant 0 : i32
      %dma_start3A_867 = tpu.memref_slice %arg5[%dma_start3A_859, %dma_start3A_860, %dma_start3A_866] : memref<4x2x125xi32, #tpu.memory_space<vmem>> -> memref<1x1x125xi32, #tpu.memory_space<vmem>>
      %dma_start3A_868 = tpu.memref_squeeze %dma_start3A_867 : memref<1x1x125xi32, #tpu.memory_space<vmem>> -> memref<125xi32, #tpu.memory_space<vmem>>
      %dma_start3A_869 = arith.constant 0 : i32
      %dma_start3A_870 = arith.constant 0 : i32
      %dma_start3A_871 = tpu.memref_slice %arg7[%dma_start3A_869, %dma_start3A_870] : memref<10240x128xf32, #tpu.memory_space<vmem_shared>> -> memref<10240x128xf32, #tpu.memory_space<vmem_shared>>
      %dma_start3A_872 = tpu.memref_slice %arg9[%dma_start3A_861] : memref<2x!tpu.dma_semaphore, #tpu.memory_space<semaphore_mem>> -> memref<1x!tpu.dma_semaphore, #tpu.memory_space<semaphore_mem>>
      %dma_start3A_873 = tpu.memref_squeeze %dma_start3A_872 : memref<1x!tpu.dma_semaphore, #tpu.memory_space<semaphore_mem>> -> memref<!tpu.dma_semaphore, #tpu.memory_space<semaphore_mem>>
      tpu.enqueue_indirect_dma source(%dma_start3A_865 : memref<125x128xf32, #tpu.memory_space<vmem>>) target(%dma_start3A_871 : memref<10240x128xf32, #tpu.memory_space<vmem_shared>>) offsets(%dma_start3A_868 : memref<125xi32, #tpu.memory_space<vmem>>) semaphore(%dma_start3A_873 : memref<!tpu.dma_semaphore, #tpu.memory_space<semaphore_mem>>) {add = true}
      %add3A_874 = arith.constant 2 : i32
      %add3A_875 = arith.addi %add3A_836, %add3A_874 : i32
      %le3A_876 = arith.constant 79 : i32
      %le3A_877 = arith.cmpi sle, %add3A_875, %le3A_876 : i32
      %convert_element_type3A_878 = arith.extui %le3A_877 : i1 to i32
      %cond3A_879 = arith.constant 0 : i32
      %cond3A_880 = arith.cmpi ne, %convert_element_type3A_878, %cond3A_879 : i32
      scf.if %cond3A_880 {
        %add3A_994 = arith.constant 2 : i32
        %add3A_995 = arith.addi %add3A_836, %add3A_994 : i32
        %dma_start3A_996 = arith.constant 3 : i32
        %dma_start3A_997 = arith.constant 3 : i32
        %dma_start3A_998 = arith.constant 0 : i32
        %dma_start3A_999 = arith.constant 0 : i32
        %dma_start3A_1000 = tpu.memref_slice %arg5[%dma_start3A_996, %dma_start3A_998, %dma_start3A_999] : memref<4x2x125xi32, #tpu.memory_space<vmem>> -> memref<1x2x125xi32, #tpu.memory_space<vmem>>
        %dma_start3A_1001 = tpu.memref_squeeze %dma_start3A_1000 : memref<1x2x125xi32, #tpu.memory_space<vmem>> -> memref<2x125xi32, #tpu.memory_space<vmem>>
        %dma_start3A_1002 = arith.constant 0 : i32
        %dma_start3A_1003 = arith.constant 0 : i32
        %dma_start3A_1004 = tpu.memref_slice %arg3[%add3A, %add3A_995, %dma_start3A_1002, %dma_start3A_1003] : memref<32x80x2x125xi32, #tpu.memory_space<hbm>> -> memref<1x1x2x125xi32, #tpu.memory_space<hbm>>
        %dma_start3A_1005 = tpu.memref_squeeze %dma_start3A_1004 : memref<1x1x2x125xi32, #tpu.memory_space<hbm>> -> memref<2x125xi32, #tpu.memory_space<hbm>>
        %dma_start3A_1006 = tpu.memref_slice %arg10[%dma_start3A_997] : memref<4x!tpu.dma_semaphore, #tpu.memory_space<semaphore_mem>> -> memref<1x!tpu.dma_semaphore, #tpu.memory_space<semaphore_mem>>
        %dma_start3A_1007 = tpu.memref_squeeze %dma_start3A_1006 : memref<1x!tpu.dma_semaphore, #tpu.memory_space<semaphore_mem>> -> memref<!tpu.dma_semaphore, #tpu.memory_space<semaphore_mem>>
        %dma_start3A_1008 = arith.constant 0 : i32
        %dma_start3A_1009 = arith.constant 0 : i32
        %dma_start3A_1010 = tpu.memref_slice %arg5[%dma_start3A_996, %dma_start3A_1008, %dma_start3A_1009] : memref<4x2x125xi32, #tpu.memory_space<vmem>> -> memref<1x2x125xi32, #tpu.memory_space<vmem>>
        %dma_start3A_1011 = tpu.memref_squeeze %dma_start3A_1010 : memref<1x2x125xi32, #tpu.memory_space<vmem>> -> memref<2x125xi32, #tpu.memory_space<vmem>>
        %dma_start3A_1012 = arith.constant 0 : i32
        %dma_start3A_1013 = arith.constant 0 : i32
        %dma_start3A_1014 = tpu.memref_slice %arg3[%add3A, %add3A_995, %dma_start3A_1012, %dma_start3A_1013] : memref<32x80x2x125xi32, #tpu.memory_space<hbm>> -> memref<1x1x2x125xi32, #tpu.memory_space<hbm>>
        %dma_start3A_1015 = tpu.memref_squeeze %dma_start3A_1014 : memref<1x1x2x125xi32, #tpu.memory_space<hbm>> -> memref<2x125xi32, #tpu.memory_space<hbm>>
        tpu.enqueue_dma source(%dma_start3A_1015 : memref<2x125xi32, #tpu.memory_space<hbm>>) target(%dma_start3A_1011 : memref<2x125xi32, #tpu.memory_space<vmem>>) target_semaphore(%dma_start3A_1007 : memref<!tpu.dma_semaphore, #tpu.memory_space<semaphore_mem>>)
      } else {
      }
      %add3A_881 = arith.constant 1 : i32
      %add3A_882 = arith.addi %add3A_836, %add3A_881 : i32
      %le3A_883 = arith.constant 79 : i32
      %le3A_884 = arith.cmpi sle, %add3A_882, %le3A_883 : i32
      %convert_element_type3A_885 = arith.extui %le3A_884 : i1 to i32
      %cond3A_886 = arith.constant 0 : i32
      %cond3A_887 = arith.cmpi ne, %convert_element_type3A_885, %cond3A_886 : i32
      scf.if %cond3A_887 {
        %add3A_994 = arith.constant 1 : i32
        %add3A_995 = arith.addi %add3A_836, %add3A_994 : i32
        %dma_wait3A_996 = arith.constant 2 : i32
        %dma_wait3A_997 = arith.constant 2 : i32
        %dma_wait3A_998 = arith.constant 0 : i32
        %dma_wait3A_999 = arith.constant 0 : i32
        %dma_wait3A_1000 = tpu.memref_slice %arg5[%dma_wait3A_996, %dma_wait3A_998, %dma_wait3A_999] : memref<4x2x125xi32, #tpu.memory_space<vmem>> -> memref<1x2x125xi32, #tpu.memory_space<vmem>>
        %dma_wait3A_1001 = tpu.memref_squeeze %dma_wait3A_1000 : memref<1x2x125xi32, #tpu.memory_space<vmem>> -> memref<2x125xi32, #tpu.memory_space<vmem>>
        %dma_wait3A_1002 = arith.constant 0 : i32
        %dma_wait3A_1003 = arith.constant 0 : i32
        %dma_wait3A_1004 = tpu.memref_slice %arg3[%add3A, %add3A_995, %dma_wait3A_1002, %dma_wait3A_1003] : memref<32x80x2x125xi32, #tpu.memory_space<hbm>> -> memref<1x1x2x125xi32, #tpu.memory_space<hbm>>
        %dma_wait3A_1005 = tpu.memref_squeeze %dma_wait3A_1004 : memref<1x1x2x125xi32, #tpu.memory_space<hbm>> -> memref<2x125xi32, #tpu.memory_space<hbm>>
        %dma_wait3A_1006 = tpu.memref_slice %arg10[%dma_wait3A_997] : memref<4x!tpu.dma_semaphore, #tpu.memory_space<semaphore_mem>> -> memref<1x!tpu.dma_semaphore, #tpu.memory_space<semaphore_mem>>
        %dma_wait3A_1007 = tpu.memref_squeeze %dma_wait3A_1006 : memref<1x!tpu.dma_semaphore, #tpu.memory_space<semaphore_mem>> -> memref<!tpu.dma_semaphore, #tpu.memory_space<semaphore_mem>>
        %dma_wait3A_1008 = arith.constant 0 : i32
        %dma_wait3A_1009 = arith.constant 0 : i32
        %dma_wait3A_1010 = tpu.memref_slice %arg5[%dma_wait3A_996, %dma_wait3A_1008, %dma_wait3A_1009] : memref<4x2x125xi32, #tpu.memory_space<vmem>> -> memref<1x2x125xi32, #tpu.memory_space<vmem>>
        %dma_wait3A_1011 = tpu.memref_squeeze %dma_wait3A_1010 : memref<1x2x125xi32, #tpu.memory_space<vmem>> -> memref<2x125xi32, #tpu.memory_space<vmem>>
        %dma_wait3A_1012 = arith.constant 0 : i32
        %dma_wait3A_1013 = arith.constant 0 : i32
        %dma_wait3A_1014 = tpu.memref_slice %arg3[%add3A, %add3A_995, %dma_wait3A_1012, %dma_wait3A_1013] : memref<32x80x2x125xi32, #tpu.memory_space<hbm>> -> memref<1x1x2x125xi32, #tpu.memory_space<hbm>>
        %dma_wait3A_1015 = tpu.memref_squeeze %dma_wait3A_1014 : memref<1x1x2x125xi32, #tpu.memory_space<hbm>> -> memref<2x125xi32, #tpu.memory_space<hbm>>
        tpu.wait_dma2 semaphore(%dma_wait3A_1007 : memref<!tpu.dma_semaphore, #tpu.memory_space<semaphore_mem>>) src(%dma_wait3A_1015 : memref<2x125xi32, #tpu.memory_space<hbm>>) dst(%dma_wait3A_1011 : memref<2x125xi32, #tpu.memory_space<vmem>>)
        %add3A_1016 = arith.constant 1 : i32
        %add3A_1017 = arith.addi %add3A_836, %add3A_1016 : i32
        %dma_start3A_1018 = arith.constant 2 : i32
        %dma_start3A_1019 = arith.constant 0 : i32
        %dma_start3A_1020 = arith.constant 0 : i32
        %dma_start3A_1021 = arith.constant 0 : i32
        %dma_start3A_1022 = arith.constant 0 : i32
        %dma_start3A_1023 = arith.constant 0 : i32
        %dma_start3A_1024 = tpu.memref_slice %arg6[%dma_start3A_1020, %dma_start3A_1022, %dma_start3A_1023] : memref<2x125x128xf32, #tpu.memory_space<vmem>> -> memref<1x125x128xf32, #tpu.memory_space<vmem>>
        %dma_start3A_1025 = tpu.memref_squeeze %dma_start3A_1024 : memref<1x125x128xf32, #tpu.memory_space<vmem>> -> memref<125x128xf32, #tpu.memory_space<vmem>>
        %dma_start3A_1026 = arith.constant 0 : i32
        %dma_start3A_1027 = tpu.memref_slice %arg5[%dma_start3A_1018, %dma_start3A_1019, %dma_start3A_1026] : memref<4x2x125xi32, #tpu.memory_space<vmem>> -> memref<1x1x125xi32, #tpu.memory_space<vmem>>
        %dma_start3A_1028 = tpu.memref_squeeze %dma_start3A_1027 : memref<1x1x125xi32, #tpu.memory_space<vmem>> -> memref<125xi32, #tpu.memory_space<vmem>>
        %dma_start3A_1029 = arith.constant 0 : i32
        %dma_start3A_1030 = arith.constant 0 : i32
        %dma_start3A_1031 = tpu.memref_slice %arg2[%dma_start3A_1029, %dma_start3A_1030] : memref<10000x128xf32, #tpu.memory_space<hbm>> -> memref<10000x128xf32, #tpu.memory_space<hbm>>
        %dma_start3A_1032 = tpu.memref_slice %arg8[%dma_start3A_1021] : memref<2x!tpu.dma_semaphore, #tpu.memory_space<semaphore_mem>> -> memref<1x!tpu.dma_semaphore, #tpu.memory_space<semaphore_mem>>
        %dma_start3A_1033 = tpu.memref_squeeze %dma_start3A_1032 : memref<1x!tpu.dma_semaphore, #tpu.memory_space<semaphore_mem>> -> memref<!tpu.dma_semaphore, #tpu.memory_space<semaphore_mem>>
        tpu.enqueue_indirect_dma source(%dma_start3A_1031 : memref<10000x128xf32, #tpu.memory_space<hbm>>) target(%dma_start3A_1025 : memref<125x128xf32, #tpu.memory_space<vmem>>) offsets(%dma_start3A_1028 : memref<125xi32, #tpu.memory_space<vmem>>) semaphore(%dma_start3A_1033 : memref<!tpu.dma_semaphore, #tpu.memory_space<semaphore_mem>>)
      } else {
      }
      %add3A_888 = arith.constant 2 : i32
      %add3A_889 = arith.addi %add3A_785, %add3A_888 : i32
      %dma_wait3A_890 = arith.constant 2 : i32
      %dma_wait3A_891 = arith.constant 0 : i32
      %dma_wait3A_892 = arith.constant 0 : i32
      %dma_wait3A_893 = arith.constant 0 : i32
      %dma_wait3A_894 = arith.constant 0 : i32
      %dma_wait3A_895 = arith.constant 0 : i32
      %dma_wait3A_896 = tpu.memref_slice %arg6[%dma_wait3A_892, %dma_wait3A_894, %dma_wait3A_895] : memref<2x125x128xf32, #tpu.memory_space<vmem>> -> memref<1x125x128xf32, #tpu.memory_space<vmem>>
      %dma_wait3A_897 = tpu.memref_squeeze %dma_wait3A_896 : memref<1x125x128xf32, #tpu.memory_space<vmem>> -> memref<125x128xf32, #tpu.memory_space<vmem>>
      %dma_wait3A_898 = arith.constant 0 : i32
      %dma_wait3A_899 = tpu.memref_slice %arg5[%dma_wait3A_890, %dma_wait3A_891, %dma_wait3A_898] : memref<4x2x125xi32, #tpu.memory_space<vmem>> -> memref<1x1x125xi32, #tpu.memory_space<vmem>>
      %dma_wait3A_900 = tpu.memref_squeeze %dma_wait3A_899 : memref<1x1x125xi32, #tpu.memory_space<vmem>> -> memref<125xi32, #tpu.memory_space<vmem>>
      %dma_wait3A_901 = arith.constant 0 : i32
      %dma_wait3A_902 = arith.constant 0 : i32
      %dma_wait3A_903 = tpu.memref_slice %arg2[%dma_wait3A_901, %dma_wait3A_902] : memref<10000x128xf32, #tpu.memory_space<hbm>> -> memref<10000x128xf32, #tpu.memory_space<hbm>>
      %dma_wait3A_904 = tpu.memref_slice %arg8[%dma_wait3A_893] : memref<2x!tpu.dma_semaphore, #tpu.memory_space<semaphore_mem>> -> memref<1x!tpu.dma_semaphore, #tpu.memory_space<semaphore_mem>>
      %dma_wait3A_905 = tpu.memref_squeeze %dma_wait3A_904 : memref<1x!tpu.dma_semaphore, #tpu.memory_space<semaphore_mem>> -> memref<!tpu.dma_semaphore, #tpu.memory_space<semaphore_mem>>
      tpu.wait_indirect_dma semaphore(%dma_wait3A_905 : memref<!tpu.dma_semaphore, #tpu.memory_space<semaphore_mem>>) src(%dma_wait3A_903 : memref<10000x128xf32, #tpu.memory_space<hbm>>) dst(%dma_wait3A_897 : memref<125x128xf32, #tpu.memory_space<vmem>>)
      %gt3A_906 = arith.constant 0 : i32
      %gt3A_907 = arith.cmpi sgt, %add3A_889, %gt3A_906 : i32
      %convert_element_type3A_908 = arith.extui %gt3A_907 : i1 to i32
      %cond3A_909 = arith.constant 0 : i32
      %cond3A_910 = arith.cmpi ne, %convert_element_type3A_908, %cond3A_909 : i32
      scf.if %cond3A_910 {
        %sub3A = arith.constant 1 : i32
        %sub3A_994 = arith.subi %add3A_889, %sub3A : i32
        %dma_wait3A_995 = arith.constant 1 : i32
        %dma_wait3A_996 = arith.constant 1 : i32
        %dma_wait3A_997 = arith.constant 1 : i32
        %dma_wait3A_998 = arith.constant 1 : i32
        %dma_wait3A_999 = arith.constant 0 : i32
        %dma_wait3A_1000 = arith.constant 0 : i32
        %dma_wait3A_1001 = tpu.memref_slice %arg6[%dma_wait3A_995, %dma_wait3A_999, %dma_wait3A_1000] : memref<2x125x128xf32, #tpu.memory_space<vmem>> -> memref<1x125x128xf32, #tpu.memory_space<vmem>>
        %dma_wait3A_1002 = tpu.memref_squeeze %dma_wait3A_1001 : memref<1x125x128xf32, #tpu.memory_space<vmem>> -> memref<125x128xf32, #tpu.memory_space<vmem>>
        %dma_wait3A_1003 = arith.constant 0 : i32
        %dma_wait3A_1004 = tpu.memref_slice %arg5[%dma_wait3A_996, %dma_wait3A_997, %dma_wait3A_1003] : memref<4x2x125xi32, #tpu.memory_space<vmem>> -> memref<1x1x125xi32, #tpu.memory_space<vmem>>
        %dma_wait3A_1005 = tpu.memref_squeeze %dma_wait3A_1004 : memref<1x1x125xi32, #tpu.memory_space<vmem>> -> memref<125xi32, #tpu.memory_space<vmem>>
        %dma_wait3A_1006 = arith.constant 0 : i32
        %dma_wait3A_1007 = arith.constant 0 : i32
        %dma_wait3A_1008 = tpu.memref_slice %arg7[%dma_wait3A_1006, %dma_wait3A_1007] : memref<10240x128xf32, #tpu.memory_space<vmem_shared>> -> memref<10240x128xf32, #tpu.memory_space<vmem_shared>>
        %dma_wait3A_1009 = tpu.memref_slice %arg9[%dma_wait3A_998] : memref<2x!tpu.dma_semaphore, #tpu.memory_space<semaphore_mem>> -> memref<1x!tpu.dma_semaphore, #tpu.memory_space<semaphore_mem>>
        %dma_wait3A_1010 = tpu.memref_squeeze %dma_wait3A_1009 : memref<1x!tpu.dma_semaphore, #tpu.memory_space<semaphore_mem>> -> memref<!tpu.dma_semaphore, #tpu.memory_space<semaphore_mem>>
        tpu.wait_indirect_dma semaphore(%dma_wait3A_1010 : memref<!tpu.dma_semaphore, #tpu.memory_space<semaphore_mem>>) src(%dma_wait3A_1002 : memref<125x128xf32, #tpu.memory_space<vmem>>) dst(%dma_wait3A_1008 : memref<10240x128xf32, #tpu.memory_space<vmem_shared>>)
      } else {
      }
      %dma_start3A_911 = arith.constant 0 : i32
      %dma_start3A_912 = arith.constant 2 : i32
      %dma_start3A_913 = arith.constant 1 : i32
      %dma_start3A_914 = arith.constant 0 : i32
      %dma_start3A_915 = arith.constant 0 : i32
      %dma_start3A_916 = arith.constant 0 : i32
      %dma_start3A_917 = tpu.memref_slice %arg6[%dma_start3A_911, %dma_start3A_915, %dma_start3A_916] : memref<2x125x128xf32, #tpu.memory_space<vmem>> -> memref<1x125x128xf32, #tpu.memory_space<vmem>>
      %dma_start3A_918 = tpu.memref_squeeze %dma_start3A_917 : memref<1x125x128xf32, #tpu.memory_space<vmem>> -> memref<125x128xf32, #tpu.memory_space<vmem>>
      %dma_start3A_919 = arith.constant 0 : i32
      %dma_start3A_920 = tpu.memref_slice %arg5[%dma_start3A_912, %dma_start3A_913, %dma_start3A_919] : memref<4x2x125xi32, #tpu.memory_space<vmem>> -> memref<1x1x125xi32, #tpu.memory_space<vmem>>
      %dma_start3A_921 = tpu.memref_squeeze %dma_start3A_920 : memref<1x1x125xi32, #tpu.memory_space<vmem>> -> memref<125xi32, #tpu.memory_space<vmem>>
      %dma_start3A_922 = arith.constant 0 : i32
      %dma_start3A_923 = arith.constant 0 : i32
      %dma_start3A_924 = tpu.memref_slice %arg7[%dma_start3A_922, %dma_start3A_923] : memref<10240x128xf32, #tpu.memory_space<vmem_shared>> -> memref<10240x128xf32, #tpu.memory_space<vmem_shared>>
      %dma_start3A_925 = tpu.memref_slice %arg9[%dma_start3A_914] : memref<2x!tpu.dma_semaphore, #tpu.memory_space<semaphore_mem>> -> memref<1x!tpu.dma_semaphore, #tpu.memory_space<semaphore_mem>>
      %dma_start3A_926 = tpu.memref_squeeze %dma_start3A_925 : memref<1x!tpu.dma_semaphore, #tpu.memory_space<semaphore_mem>> -> memref<!tpu.dma_semaphore, #tpu.memory_space<semaphore_mem>>
      tpu.enqueue_indirect_dma source(%dma_start3A_918 : memref<125x128xf32, #tpu.memory_space<vmem>>) target(%dma_start3A_924 : memref<10240x128xf32, #tpu.memory_space<vmem_shared>>) offsets(%dma_start3A_921 : memref<125xi32, #tpu.memory_space<vmem>>) semaphore(%dma_start3A_926 : memref<!tpu.dma_semaphore, #tpu.memory_space<semaphore_mem>>) {add = true}
      %add3A_927 = arith.constant 2 : i32
      %add3A_928 = arith.addi %add3A_889, %add3A_927 : i32
      %le3A_929 = arith.constant 79 : i32
      %le3A_930 = arith.cmpi sle, %add3A_928, %le3A_929 : i32
      %convert_element_type3A_931 = arith.extui %le3A_930 : i1 to i32
      %cond3A_932 = arith.constant 0 : i32
      %cond3A_933 = arith.cmpi ne, %convert_element_type3A_931, %cond3A_932 : i32
      scf.if %cond3A_933 {
        %add3A_994 = arith.constant 2 : i32
        %add3A_995 = arith.addi %add3A_889, %add3A_994 : i32
        %dma_start3A_996 = arith.constant 0 : i32
        %dma_start3A_997 = arith.constant 0 : i32
        %dma_start3A_998 = arith.constant 0 : i32
        %dma_start3A_999 = arith.constant 0 : i32
        %dma_start3A_1000 = tpu.memref_slice %arg5[%dma_start3A_996, %dma_start3A_998, %dma_start3A_999] : memref<4x2x125xi32, #tpu.memory_space<vmem>> -> memref<1x2x125xi32, #tpu.memory_space<vmem>>
        %dma_start3A_1001 = tpu.memref_squeeze %dma_start3A_1000 : memref<1x2x125xi32, #tpu.memory_space<vmem>> -> memref<2x125xi32, #tpu.memory_space<vmem>>
        %dma_start3A_1002 = arith.constant 0 : i32
        %dma_start3A_1003 = arith.constant 0 : i32
        %dma_start3A_1004 = tpu.memref_slice %arg3[%add3A, %add3A_995, %dma_start3A_1002, %dma_start3A_1003] : memref<32x80x2x125xi32, #tpu.memory_space<hbm>> -> memref<1x1x2x125xi32, #tpu.memory_space<hbm>>
        %dma_start3A_1005 = tpu.memref_squeeze %dma_start3A_1004 : memref<1x1x2x125xi32, #tpu.memory_space<hbm>> -> memref<2x125xi32, #tpu.memory_space<hbm>>
        %dma_start3A_1006 = tpu.memref_slice %arg10[%dma_start3A_997] : memref<4x!tpu.dma_semaphore, #tpu.memory_space<semaphore_mem>> -> memref<1x!tpu.dma_semaphore, #tpu.memory_space<semaphore_mem>>
        %dma_start3A_1007 = tpu.memref_squeeze %dma_start3A_1006 : memref<1x!tpu.dma_semaphore, #tpu.memory_space<semaphore_mem>> -> memref<!tpu.dma_semaphore, #tpu.memory_space<semaphore_mem>>
        %dma_start3A_1008 = arith.constant 0 : i32
        %dma_start3A_1009 = arith.constant 0 : i32
        %dma_start3A_1010 = tpu.memref_slice %arg5[%dma_start3A_996, %dma_start3A_1008, %dma_start3A_1009] : memref<4x2x125xi32, #tpu.memory_space<vmem>> -> memref<1x2x125xi32, #tpu.memory_space<vmem>>
        %dma_start3A_1011 = tpu.memref_squeeze %dma_start3A_1010 : memref<1x2x125xi32, #tpu.memory_space<vmem>> -> memref<2x125xi32, #tpu.memory_space<vmem>>
        %dma_start3A_1012 = arith.constant 0 : i32
        %dma_start3A_1013 = arith.constant 0 : i32
        %dma_start3A_1014 = tpu.memref_slice %arg3[%add3A, %add3A_995, %dma_start3A_1012, %dma_start3A_1013] : memref<32x80x2x125xi32, #tpu.memory_space<hbm>> -> memref<1x1x2x125xi32, #tpu.memory_space<hbm>>
        %dma_start3A_1015 = tpu.memref_squeeze %dma_start3A_1014 : memref<1x1x2x125xi32, #tpu.memory_space<hbm>> -> memref<2x125xi32, #tpu.memory_space<hbm>>
        tpu.enqueue_dma source(%dma_start3A_1015 : memref<2x125xi32, #tpu.memory_space<hbm>>) target(%dma_start3A_1011 : memref<2x125xi32, #tpu.memory_space<vmem>>) target_semaphore(%dma_start3A_1007 : memref<!tpu.dma_semaphore, #tpu.memory_space<semaphore_mem>>)
      } else {
      }
      %add3A_934 = arith.constant 1 : i32
      %add3A_935 = arith.addi %add3A_889, %add3A_934 : i32
      %le3A_936 = arith.constant 79 : i32
      %le3A_937 = arith.cmpi sle, %add3A_935, %le3A_936 : i32
      %convert_element_type3A_938 = arith.extui %le3A_937 : i1 to i32
      %cond3A_939 = arith.constant 0 : i32
      %cond3A_940 = arith.cmpi ne, %convert_element_type3A_938, %cond3A_939 : i32
      scf.if %cond3A_940 {
        %add3A_994 = arith.constant 1 : i32
        %add3A_995 = arith.addi %add3A_889, %add3A_994 : i32
        %dma_wait3A_996 = arith.constant 3 : i32
        %dma_wait3A_997 = arith.constant 3 : i32
        %dma_wait3A_998 = arith.constant 0 : i32
        %dma_wait3A_999 = arith.constant 0 : i32
        %dma_wait3A_1000 = tpu.memref_slice %arg5[%dma_wait3A_996, %dma_wait3A_998, %dma_wait3A_999] : memref<4x2x125xi32, #tpu.memory_space<vmem>> -> memref<1x2x125xi32, #tpu.memory_space<vmem>>
        %dma_wait3A_1001 = tpu.memref_squeeze %dma_wait3A_1000 : memref<1x2x125xi32, #tpu.memory_space<vmem>> -> memref<2x125xi32, #tpu.memory_space<vmem>>
        %dma_wait3A_1002 = arith.constant 0 : i32
        %dma_wait3A_1003 = arith.constant 0 : i32
        %dma_wait3A_1004 = tpu.memref_slice %arg3[%add3A, %add3A_995, %dma_wait3A_1002, %dma_wait3A_1003] : memref<32x80x2x125xi32, #tpu.memory_space<hbm>> -> memref<1x1x2x125xi32, #tpu.memory_space<hbm>>
        %dma_wait3A_1005 = tpu.memref_squeeze %dma_wait3A_1004 : memref<1x1x2x125xi32, #tpu.memory_space<hbm>> -> memref<2x125xi32, #tpu.memory_space<hbm>>
        %dma_wait3A_1006 = tpu.memref_slice %arg10[%dma_wait3A_997] : memref<4x!tpu.dma_semaphore, #tpu.memory_space<semaphore_mem>> -> memref<1x!tpu.dma_semaphore, #tpu.memory_space<semaphore_mem>>
        %dma_wait3A_1007 = tpu.memref_squeeze %dma_wait3A_1006 : memref<1x!tpu.dma_semaphore, #tpu.memory_space<semaphore_mem>> -> memref<!tpu.dma_semaphore, #tpu.memory_space<semaphore_mem>>
        %dma_wait3A_1008 = arith.constant 0 : i32
        %dma_wait3A_1009 = arith.constant 0 : i32
        %dma_wait3A_1010 = tpu.memref_slice %arg5[%dma_wait3A_996, %dma_wait3A_1008, %dma_wait3A_1009] : memref<4x2x125xi32, #tpu.memory_space<vmem>> -> memref<1x2x125xi32, #tpu.memory_space<vmem>>
        %dma_wait3A_1011 = tpu.memref_squeeze %dma_wait3A_1010 : memref<1x2x125xi32, #tpu.memory_space<vmem>> -> memref<2x125xi32, #tpu.memory_space<vmem>>
        %dma_wait3A_1012 = arith.constant 0 : i32
        %dma_wait3A_1013 = arith.constant 0 : i32
        %dma_wait3A_1014 = tpu.memref_slice %arg3[%add3A, %add3A_995, %dma_wait3A_1012, %dma_wait3A_1013] : memref<32x80x2x125xi32, #tpu.memory_space<hbm>> -> memref<1x1x2x125xi32, #tpu.memory_space<hbm>>
        %dma_wait3A_1015 = tpu.memref_squeeze %dma_wait3A_1014 : memref<1x1x2x125xi32, #tpu.memory_space<hbm>> -> memref<2x125xi32, #tpu.memory_space<hbm>>
        tpu.wait_dma2 semaphore(%dma_wait3A_1007 : memref<!tpu.dma_semaphore, #tpu.memory_space<semaphore_mem>>) src(%dma_wait3A_1015 : memref<2x125xi32, #tpu.memory_space<hbm>>) dst(%dma_wait3A_1011 : memref<2x125xi32, #tpu.memory_space<vmem>>)
        %add3A_1016 = arith.constant 1 : i32
        %add3A_1017 = arith.addi %add3A_889, %add3A_1016 : i32
        %dma_start3A_1018 = arith.constant 3 : i32
        %dma_start3A_1019 = arith.constant 0 : i32
        %dma_start3A_1020 = arith.constant 1 : i32
        %dma_start3A_1021 = arith.constant 1 : i32
        %dma_start3A_1022 = arith.constant 0 : i32
        %dma_start3A_1023 = arith.constant 0 : i32
        %dma_start3A_1024 = tpu.memref_slice %arg6[%dma_start3A_1020, %dma_start3A_1022, %dma_start3A_1023] : memref<2x125x128xf32, #tpu.memory_space<vmem>> -> memref<1x125x128xf32, #tpu.memory_space<vmem>>
        %dma_start3A_1025 = tpu.memref_squeeze %dma_start3A_1024 : memref<1x125x128xf32, #tpu.memory_space<vmem>> -> memref<125x128xf32, #tpu.memory_space<vmem>>
        %dma_start3A_1026 = arith.constant 0 : i32
        %dma_start3A_1027 = tpu.memref_slice %arg5[%dma_start3A_1018, %dma_start3A_1019, %dma_start3A_1026] : memref<4x2x125xi32, #tpu.memory_space<vmem>> -> memref<1x1x125xi32, #tpu.memory_space<vmem>>
        %dma_start3A_1028 = tpu.memref_squeeze %dma_start3A_1027 : memref<1x1x125xi32, #tpu.memory_space<vmem>> -> memref<125xi32, #tpu.memory_space<vmem>>
        %dma_start3A_1029 = arith.constant 0 : i32
        %dma_start3A_1030 = arith.constant 0 : i32
        %dma_start3A_1031 = tpu.memref_slice %arg2[%dma_start3A_1029, %dma_start3A_1030] : memref<10000x128xf32, #tpu.memory_space<hbm>> -> memref<10000x128xf32, #tpu.memory_space<hbm>>
        %dma_start3A_1032 = tpu.memref_slice %arg8[%dma_start3A_1021] : memref<2x!tpu.dma_semaphore, #tpu.memory_space<semaphore_mem>> -> memref<1x!tpu.dma_semaphore, #tpu.memory_space<semaphore_mem>>
        %dma_start3A_1033 = tpu.memref_squeeze %dma_start3A_1032 : memref<1x!tpu.dma_semaphore, #tpu.memory_space<semaphore_mem>> -> memref<!tpu.dma_semaphore, #tpu.memory_space<semaphore_mem>>
        tpu.enqueue_indirect_dma source(%dma_start3A_1031 : memref<10000x128xf32, #tpu.memory_space<hbm>>) target(%dma_start3A_1025 : memref<125x128xf32, #tpu.memory_space<vmem>>) offsets(%dma_start3A_1028 : memref<125xi32, #tpu.memory_space<vmem>>) semaphore(%dma_start3A_1033 : memref<!tpu.dma_semaphore, #tpu.memory_space<semaphore_mem>>)
      } else {
      }
      %add3A_941 = arith.constant 3 : i32
      %add3A_942 = arith.addi %add3A_785, %add3A_941 : i32
      %dma_wait3A_943 = arith.constant 3 : i32
      %dma_wait3A_944 = arith.constant 0 : i32
      %dma_wait3A_945 = arith.constant 1 : i32
      %dma_wait3A_946 = arith.constant 1 : i32
      %dma_wait3A_947 = arith.constant 0 : i32
      %dma_wait3A_948 = arith.constant 0 : i32
      %dma_wait3A_949 = tpu.memref_slice %arg6[%dma_wait3A_945, %dma_wait3A_947, %dma_wait3A_948] : memref<2x125x128xf32, #tpu.memory_space<vmem>> -> memref<1x125x128xf32, #tpu.memory_space<vmem>>
      %dma_wait3A_950 = tpu.memref_squeeze %dma_wait3A_949 : memref<1x125x128xf32, #tpu.memory_space<vmem>> -> memref<125x128xf32, #tpu.memory_space<vmem>>
      %dma_wait3A_951 = arith.constant 0 : i32
      %dma_wait3A_952 = tpu.memref_slice %arg5[%dma_wait3A_943, %dma_wait3A_944, %dma_wait3A_951] : memref<4x2x125xi32, #tpu.memory_space<vmem>> -> memref<1x1x125xi32, #tpu.memory_space<vmem>>
      %dma_wait3A_953 = tpu.memref_squeeze %dma_wait3A_952 : memref<1x1x125xi32, #tpu.memory_space<vmem>> -> memref<125xi32, #tpu.memory_space<vmem>>
      %dma_wait3A_954 = arith.constant 0 : i32
      %dma_wait3A_955 = arith.constant 0 : i32
      %dma_wait3A_956 = tpu.memref_slice %arg2[%dma_wait3A_954, %dma_wait3A_955] : memref<10000x128xf32, #tpu.memory_space<hbm>> -> memref<10000x128xf32, #tpu.memory_space<hbm>>
      %dma_wait3A_957 = tpu.memref_slice %arg8[%dma_wait3A_946] : memref<2x!tpu.dma_semaphore, #tpu.memory_space<semaphore_mem>> -> memref<1x!tpu.dma_semaphore, #tpu.memory_space<semaphore_mem>>
      %dma_wait3A_958 = tpu.memref_squeeze %dma_wait3A_957 : memref<1x!tpu.dma_semaphore, #tpu.memory_space<semaphore_mem>> -> memref<!tpu.dma_semaphore, #tpu.memory_space<semaphore_mem>>
      tpu.wait_indirect_dma semaphore(%dma_wait3A_958 : memref<!tpu.dma_semaphore, #tpu.memory_space<semaphore_mem>>) src(%dma_wait3A_956 : memref<10000x128xf32, #tpu.memory_space<hbm>>) dst(%dma_wait3A_950 : memref<125x128xf32, #tpu.memory_space<vmem>>)
      %gt3A_959 = arith.constant 0 : i32
      %gt3A_960 = arith.cmpi sgt, %add3A_942, %gt3A_959 : i32
      %convert_element_type3A_961 = arith.extui %gt3A_960 : i1 to i32
      %cond3A_962 = arith.constant 0 : i32
      %cond3A_963 = arith.cmpi ne, %convert_element_type3A_961, %cond3A_962 : i32
      scf.if %cond3A_963 {
        %sub3A = arith.constant 1 : i32
        %sub3A_994 = arith.subi %add3A_942, %sub3A : i32
        %dma_wait3A_995 = arith.constant 0 : i32
        %dma_wait3A_996 = arith.constant 2 : i32
        %dma_wait3A_997 = arith.constant 1 : i32
        %dma_wait3A_998 = arith.constant 0 : i32
        %dma_wait3A_999 = arith.constant 0 : i32
        %dma_wait3A_1000 = arith.constant 0 : i32
        %dma_wait3A_1001 = tpu.memref_slice %arg6[%dma_wait3A_995, %dma_wait3A_999, %dma_wait3A_1000] : memref<2x125x128xf32, #tpu.memory_space<vmem>> -> memref<1x125x128xf32, #tpu.memory_space<vmem>>
        %dma_wait3A_1002 = tpu.memref_squeeze %dma_wait3A_1001 : memref<1x125x128xf32, #tpu.memory_space<vmem>> -> memref<125x128xf32, #tpu.memory_space<vmem>>
        %dma_wait3A_1003 = arith.constant 0 : i32
        %dma_wait3A_1004 = tpu.memref_slice %arg5[%dma_wait3A_996, %dma_wait3A_997, %dma_wait3A_1003] : memref<4x2x125xi32, #tpu.memory_space<vmem>> -> memref<1x1x125xi32, #tpu.memory_space<vmem>>
        %dma_wait3A_1005 = tpu.memref_squeeze %dma_wait3A_1004 : memref<1x1x125xi32, #tpu.memory_space<vmem>> -> memref<125xi32, #tpu.memory_space<vmem>>
        %dma_wait3A_1006 = arith.constant 0 : i32
        %dma_wait3A_1007 = arith.constant 0 : i32
        %dma_wait3A_1008 = tpu.memref_slice %arg7[%dma_wait3A_1006, %dma_wait3A_1007] : memref<10240x128xf32, #tpu.memory_space<vmem_shared>> -> memref<10240x128xf32, #tpu.memory_space<vmem_shared>>
        %dma_wait3A_1009 = tpu.memref_slice %arg9[%dma_wait3A_998] : memref<2x!tpu.dma_semaphore, #tpu.memory_space<semaphore_mem>> -> memref<1x!tpu.dma_semaphore, #tpu.memory_space<semaphore_mem>>
        %dma_wait3A_1010 = tpu.memref_squeeze %dma_wait3A_1009 : memref<1x!tpu.dma_semaphore, #tpu.memory_space<semaphore_mem>> -> memref<!tpu.dma_semaphore, #tpu.memory_space<semaphore_mem>>
        tpu.wait_indirect_dma semaphore(%dma_wait3A_1010 : memref<!tpu.dma_semaphore, #tpu.memory_space<semaphore_mem>>) src(%dma_wait3A_1002 : memref<125x128xf32, #tpu.memory_space<vmem>>) dst(%dma_wait3A_1008 : memref<10240x128xf32, #tpu.memory_space<vmem_shared>>)
      } else {
      }
      %dma_start3A_964 = arith.constant 1 : i32
      %dma_start3A_965 = arith.constant 3 : i32
      %dma_start3A_966 = arith.constant 1 : i32
      %dma_start3A_967 = arith.constant 1 : i32
      %dma_start3A_968 = arith.constant 0 : i32
      %dma_start3A_969 = arith.constant 0 : i32
      %dma_start3A_970 = tpu.memref_slice %arg6[%dma_start3A_964, %dma_start3A_968, %dma_start3A_969] : memref<2x125x128xf32, #tpu.memory_space<vmem>> -> memref<1x125x128xf32, #tpu.memory_space<vmem>>
      %dma_start3A_971 = tpu.memref_squeeze %dma_start3A_970 : memref<1x125x128xf32, #tpu.memory_space<vmem>> -> memref<125x128xf32, #tpu.memory_space<vmem>>
      %dma_start3A_972 = arith.constant 0 : i32
      %dma_start3A_973 = tpu.memref_slice %arg5[%dma_start3A_965, %dma_start3A_966, %dma_start3A_972] : memref<4x2x125xi32, #tpu.memory_space<vmem>> -> memref<1x1x125xi32, #tpu.memory_space<vmem>>
      %dma_start3A_974 = tpu.memref_squeeze %dma_start3A_973 : memref<1x1x125xi32, #tpu.memory_space<vmem>> -> memref<125xi32, #tpu.memory_space<vmem>>
      %dma_start3A_975 = arith.constant 0 : i32
      %dma_start3A_976 = arith.constant 0 : i32
      %dma_start3A_977 = tpu.memref_slice %arg7[%dma_start3A_975, %dma_start3A_976] : memref<10240x128xf32, #tpu.memory_space<vmem_shared>> -> memref<10240x128xf32, #tpu.memory_space<vmem_shared>>
      %dma_start3A_978 = tpu.memref_slice %arg9[%dma_start3A_967] : memref<2x!tpu.dma_semaphore, #tpu.memory_space<semaphore_mem>> -> memref<1x!tpu.dma_semaphore, #tpu.memory_space<semaphore_mem>>
      %dma_start3A_979 = tpu.memref_squeeze %dma_start3A_978 : memref<1x!tpu.dma_semaphore, #tpu.memory_space<semaphore_mem>> -> memref<!tpu.dma_semaphore, #tpu.memory_space<semaphore_mem>>
      tpu.enqueue_indirect_dma source(%dma_start3A_971 : memref<125x128xf32, #tpu.memory_space<vmem>>) target(%dma_start3A_977 : memref<10240x128xf32, #tpu.memory_space<vmem_shared>>) offsets(%dma_start3A_974 : memref<125xi32, #tpu.memory_space<vmem>>) semaphore(%dma_start3A_979 : memref<!tpu.dma_semaphore, #tpu.memory_space<semaphore_mem>>) {add = true}
      %add3A_980 = arith.constant 2 : i32
      %add3A_981 = arith.addi %add3A_942, %add3A_980 : i32
      %le3A_982 = arith.constant 79 : i32
      %le3A_983 = arith.cmpi sle, %add3A_981, %le3A_982 : i32
      %convert_element_type3A_984 = arith.extui %le3A_983 : i1 to i32
      %cond3A_985 = arith.constant 0 : i32
      %cond3A_986 = arith.cmpi ne, %convert_element_type3A_984, %cond3A_985 : i32
      scf.if %cond3A_986 {
        %add3A_994 = arith.constant 2 : i32
        %add3A_995 = arith.addi %add3A_942, %add3A_994 : i32
        %dma_start3A_996 = arith.constant 1 : i32
        %dma_start3A_997 = arith.constant 1 : i32
        %dma_start3A_998 = arith.constant 0 : i32
        %dma_start3A_999 = arith.constant 0 : i32
        %dma_start3A_1000 = tpu.memref_slice %arg5[%dma_start3A_996, %dma_start3A_998, %dma_start3A_999] : memref<4x2x125xi32, #tpu.memory_space<vmem>> -> memref<1x2x125xi32, #tpu.memory_space<vmem>>
        %dma_start3A_1001 = tpu.memref_squeeze %dma_start3A_1000 : memref<1x2x125xi32, #tpu.memory_space<vmem>> -> memref<2x125xi32, #tpu.memory_space<vmem>>
        %dma_start3A_1002 = arith.constant 0 : i32
        %dma_start3A_1003 = arith.constant 0 : i32
        %dma_start3A_1004 = tpu.memref_slice %arg3[%add3A, %add3A_995, %dma_start3A_1002, %dma_start3A_1003] : memref<32x80x2x125xi32, #tpu.memory_space<hbm>> -> memref<1x1x2x125xi32, #tpu.memory_space<hbm>>
        %dma_start3A_1005 = tpu.memref_squeeze %dma_start3A_1004 : memref<1x1x2x125xi32, #tpu.memory_space<hbm>> -> memref<2x125xi32, #tpu.memory_space<hbm>>
        %dma_start3A_1006 = tpu.memref_slice %arg10[%dma_start3A_997] : memref<4x!tpu.dma_semaphore, #tpu.memory_space<semaphore_mem>> -> memref<1x!tpu.dma_semaphore, #tpu.memory_space<semaphore_mem>>
        %dma_start3A_1007 = tpu.memref_squeeze %dma_start3A_1006 : memref<1x!tpu.dma_semaphore, #tpu.memory_space<semaphore_mem>> -> memref<!tpu.dma_semaphore, #tpu.memory_space<semaphore_mem>>
        %dma_start3A_1008 = arith.constant 0 : i32
        %dma_start3A_1009 = arith.constant 0 : i32
        %dma_start3A_1010 = tpu.memref_slice %arg5[%dma_start3A_996, %dma_start3A_1008, %dma_start3A_1009] : memref<4x2x125xi32, #tpu.memory_space<vmem>> -> memref<1x2x125xi32, #tpu.memory_space<vmem>>
        %dma_start3A_1011 = tpu.memref_squeeze %dma_start3A_1010 : memref<1x2x125xi32, #tpu.memory_space<vmem>> -> memref<2x125xi32, #tpu.memory_space<vmem>>
        %dma_start3A_1012 = arith.constant 0 : i32
        %dma_start3A_1013 = arith.constant 0 : i32
        %dma_start3A_1014 = tpu.memref_slice %arg3[%add3A, %add3A_995, %dma_start3A_1012, %dma_start3A_1013] : memref<32x80x2x125xi32, #tpu.memory_space<hbm>> -> memref<1x1x2x125xi32, #tpu.memory_space<hbm>>
        %dma_start3A_1015 = tpu.memref_squeeze %dma_start3A_1014 : memref<1x1x2x125xi32, #tpu.memory_space<hbm>> -> memref<2x125xi32, #tpu.memory_space<hbm>>
        tpu.enqueue_dma source(%dma_start3A_1015 : memref<2x125xi32, #tpu.memory_space<hbm>>) target(%dma_start3A_1011 : memref<2x125xi32, #tpu.memory_space<vmem>>) target_semaphore(%dma_start3A_1007 : memref<!tpu.dma_semaphore, #tpu.memory_space<semaphore_mem>>)
      } else {
      }
      %add3A_987 = arith.constant 1 : i32
      %add3A_988 = arith.addi %add3A_942, %add3A_987 : i32
      %le3A_989 = arith.constant 79 : i32
      %le3A_990 = arith.cmpi sle, %add3A_988, %le3A_989 : i32
      %convert_element_type3A_991 = arith.extui %le3A_990 : i1 to i32
      %cond3A_992 = arith.constant 0 : i32
      %cond3A_993 = arith.cmpi ne, %convert_element_type3A_991, %cond3A_992 : i32
      scf.if %cond3A_993 {
        %add3A_994 = arith.constant 1 : i32
        %add3A_995 = arith.addi %add3A_942, %add3A_994 : i32
        %dma_wait3A_996 = arith.constant 0 : i32
        %dma_wait3A_997 = arith.constant 0 : i32
        %dma_wait3A_998 = arith.constant 0 : i32
        %dma_wait3A_999 = arith.constant 0 : i32
        %dma_wait3A_1000 = tpu.memref_slice %arg5[%dma_wait3A_996, %dma_wait3A_998, %dma_wait3A_999] : memref<4x2x125xi32, #tpu.memory_space<vmem>> -> memref<1x2x125xi32, #tpu.memory_space<vmem>>
        %dma_wait3A_1001 = tpu.memref_squeeze %dma_wait3A_1000 : memref<1x2x125xi32, #tpu.memory_space<vmem>> -> memref<2x125xi32, #tpu.memory_space<vmem>>
        %dma_wait3A_1002 = arith.constant 0 : i32
        %dma_wait3A_1003 = arith.constant 0 : i32
        %dma_wait3A_1004 = tpu.memref_slice %arg3[%add3A, %add3A_995, %dma_wait3A_1002, %dma_wait3A_1003] : memref<32x80x2x125xi32, #tpu.memory_space<hbm>> -> memref<1x1x2x125xi32, #tpu.memory_space<hbm>>
        %dma_wait3A_1005 = tpu.memref_squeeze %dma_wait3A_1004 : memref<1x1x2x125xi32, #tpu.memory_space<hbm>> -> memref<2x125xi32, #tpu.memory_space<hbm>>
        %dma_wait3A_1006 = tpu.memref_slice %arg10[%dma_wait3A_997] : memref<4x!tpu.dma_semaphore, #tpu.memory_space<semaphore_mem>> -> memref<1x!tpu.dma_semaphore, #tpu.memory_space<semaphore_mem>>
        %dma_wait3A_1007 = tpu.memref_squeeze %dma_wait3A_1006 : memref<1x!tpu.dma_semaphore, #tpu.memory_space<semaphore_mem>> -> memref<!tpu.dma_semaphore, #tpu.memory_space<semaphore_mem>>
        %dma_wait3A_1008 = arith.constant 0 : i32
        %dma_wait3A_1009 = arith.constant 0 : i32
        %dma_wait3A_1010 = tpu.memref_slice %arg5[%dma_wait3A_996, %dma_wait3A_1008, %dma_wait3A_1009] : memref<4x2x125xi32, #tpu.memory_space<vmem>> -> memref<1x2x125xi32, #tpu.memory_space<vmem>>
        %dma_wait3A_1011 = tpu.memref_squeeze %dma_wait3A_1010 : memref<1x2x125xi32, #tpu.memory_space<vmem>> -> memref<2x125xi32, #tpu.memory_space<vmem>>
        %dma_wait3A_1012 = arith.constant 0 : i32
        %dma_wait3A_1013 = arith.constant 0 : i32
        %dma_wait3A_1014 = tpu.memref_slice %arg3[%add3A, %add3A_995, %dma_wait3A_1012, %dma_wait3A_1013] : memref<32x80x2x125xi32, #tpu.memory_space<hbm>> -> memref<1x1x2x125xi32, #tpu.memory_space<hbm>>
        %dma_wait3A_1015 = tpu.memref_squeeze %dma_wait3A_1014 : memref<1x1x2x125xi32, #tpu.memory_space<hbm>> -> memref<2x125xi32, #tpu.memory_space<hbm>>
        tpu.wait_dma2 semaphore(%dma_wait3A_1007 : memref<!tpu.dma_semaphore, #tpu.memory_space<semaphore_mem>>) src(%dma_wait3A_1015 : memref<2x125xi32, #tpu.memory_space<hbm>>) dst(%dma_wait3A_1011 : memref<2x125xi32, #tpu.memory_space<vmem>>)
        %add3A_1016 = arith.constant 1 : i32
        %add3A_1017 = arith.addi %add3A_942, %add3A_1016 : i32
        %dma_start3A_1018 = arith.constant 0 : i32
        %dma_start3A_1019 = arith.constant 0 : i32
        %dma_start3A_1020 = arith.constant 0 : i32
        %dma_start3A_1021 = arith.constant 0 : i32
        %dma_start3A_1022 = arith.constant 0 : i32
        %dma_start3A_1023 = arith.constant 0 : i32
        %dma_start3A_1024 = tpu.memref_slice %arg6[%dma_start3A_1020, %dma_start3A_1022, %dma_start3A_1023] : memref<2x125x128xf32, #tpu.memory_space<vmem>> -> memref<1x125x128xf32, #tpu.memory_space<vmem>>
        %dma_start3A_1025 = tpu.memref_squeeze %dma_start3A_1024 : memref<1x125x128xf32, #tpu.memory_space<vmem>> -> memref<125x128xf32, #tpu.memory_space<vmem>>
        %dma_start3A_1026 = arith.constant 0 : i32
        %dma_start3A_1027 = tpu.memref_slice %arg5[%dma_start3A_1018, %dma_start3A_1019, %dma_start3A_1026] : memref<4x2x125xi32, #tpu.memory_space<vmem>> -> memref<1x1x125xi32, #tpu.memory_space<vmem>>
        %dma_start3A_1028 = tpu.memref_squeeze %dma_start3A_1027 : memref<1x1x125xi32, #tpu.memory_space<vmem>> -> memref<125xi32, #tpu.memory_space<vmem>>
        %dma_start3A_1029 = arith.constant 0 : i32
        %dma_start3A_1030 = arith.constant 0 : i32
        %dma_start3A_1031 = tpu.memref_slice %arg2[%dma_start3A_1029, %dma_start3A_1030] : memref<10000x128xf32, #tpu.memory_space<hbm>> -> memref<10000x128xf32, #tpu.memory_space<hbm>>
        %dma_start3A_1032 = tpu.memref_slice %arg8[%dma_start3A_1021] : memref<2x!tpu.dma_semaphore, #tpu.memory_space<semaphore_mem>> -> memref<1x!tpu.dma_semaphore, #tpu.memory_space<semaphore_mem>>
        %dma_start3A_1033 = tpu.memref_squeeze %dma_start3A_1032 : memref<1x!tpu.dma_semaphore, #tpu.memory_space<semaphore_mem>> -> memref<!tpu.dma_semaphore, #tpu.memory_space<semaphore_mem>>
        tpu.enqueue_indirect_dma source(%dma_start3A_1031 : memref<10000x128xf32, #tpu.memory_space<hbm>>) target(%dma_start3A_1025 : memref<125x128xf32, #tpu.memory_space<vmem>>) offsets(%dma_start3A_1028 : memref<125xi32, #tpu.memory_space<vmem>>) semaphore(%dma_start3A_1033 : memref<!tpu.dma_semaphore, #tpu.memory_space<semaphore_mem>>)
      } else {
      }
    }
    %scan3A_91 = arith.constant 20 : i32
    %dma_wait3A_92 = arith.constant 1 : i32
    %dma_wait3A_93 = arith.constant 3 : i32
    %dma_wait3A_94 = arith.constant 1 : i32
    %dma_wait3A_95 = arith.constant 1 : i32
    %dma_wait3A_96 = arith.constant 0 : i32
    %dma_wait3A_97 = arith.constant 0 : i32
    %dma_wait3A_98 = tpu.memref_slice %arg6[%dma_wait3A_92, %dma_wait3A_96, %dma_wait3A_97] : memref<2x125x128xf32, #tpu.memory_space<vmem>> -> memref<1x125x128xf32, #tpu.memory_space<vmem>>
    %dma_wait3A_99 = tpu.memref_squeeze %dma_wait3A_98 : memref<1x125x128xf32, #tpu.memory_space<vmem>> -> memref<125x128xf32, #tpu.memory_space<vmem>>
    %dma_wait3A_100 = arith.constant 0 : i32
    %dma_wait3A_101 = tpu.memref_slice %arg5[%dma_wait3A_93, %dma_wait3A_94, %dma_wait3A_100] : memref<4x2x125xi32, #tpu.memory_space<vmem>> -> memref<1x1x125xi32, #tpu.memory_space<vmem>>
    %dma_wait3A_102 = tpu.memref_squeeze %dma_wait3A_101 : memref<1x1x125xi32, #tpu.memory_space<vmem>> -> memref<125xi32, #tpu.memory_space<vmem>>
    %dma_wait3A_103 = arith.constant 0 : i32
    %dma_wait3A_104 = arith.constant 0 : i32
    %dma_wait3A_105 = tpu.memref_slice %arg7[%dma_wait3A_103, %dma_wait3A_104] : memref<10240x128xf32, #tpu.memory_space<vmem_shared>> -> memref<10240x128xf32, #tpu.memory_space<vmem_shared>>
    %dma_wait3A_106 = tpu.memref_slice %arg9[%dma_wait3A_95] : memref<2x!tpu.dma_semaphore, #tpu.memory_space<semaphore_mem>> -> memref<1x!tpu.dma_semaphore, #tpu.memory_space<semaphore_mem>>
    %dma_wait3A_107 = tpu.memref_squeeze %dma_wait3A_106 : memref<1x!tpu.dma_semaphore, #tpu.memory_space<semaphore_mem>> -> memref<!tpu.dma_semaphore, #tpu.memory_space<semaphore_mem>>
    tpu.wait_indirect_dma semaphore(%dma_wait3A_107 : memref<!tpu.dma_semaphore, #tpu.memory_space<semaphore_mem>>) src(%dma_wait3A_99 : memref<125x128xf32, #tpu.memory_space<vmem>>) dst(%dma_wait3A_105 : memref<10240x128xf32, #tpu.memory_space<vmem_shared>>)
    %barrier3A_108 = arith.constant 0 : index
    tpu.barrier barrier_id(%barrier3A_108)
    %mul3A_109 = arith.constant 640 : i32
    %mul3A_110 = arith.muli %arg1, %mul3A_109 : i32
    %add3A_111 = arith.constant 0 : i32
    %add3A_112 = arith.addi %mul3A_110, %add3A_111 : i32
    %dma_start3A_113 = arith.constant 0 : i32
    %dma_start3A_114 = arith.constant 0 : i32
    %dma_start3A_115 = arith.constant 0 : i32
    %dma_start3A_116 = arith.constant 0 : i32
    %dma_start3A_117 = tpu.memref_slice %arg6[%dma_start3A_113, %dma_start3A_115, %dma_start3A_116] : memref<2x125x128xf32, #tpu.memory_space<vmem>> -> memref<1x80x128xf32, #tpu.memory_space<vmem>>
    %dma_start3A_118 = tpu.memref_squeeze %dma_start3A_117 : memref<1x80x128xf32, #tpu.memory_space<vmem>> -> memref<80x128xf32, #tpu.memory_space<vmem>>
    %dma_start3A_119 = arith.constant 0 : i32
    %dma_start3A_120 = tpu.memref_slice %arg7[%add3A_112, %dma_start3A_119] : memref<10240x128xf32, #tpu.memory_space<vmem_shared>> -> memref<80x128xf32, #tpu.memory_space<vmem_shared>>
    %dma_start3A_121 = tpu.memref_slice %arg8[%dma_start3A_114] : memref<2x!tpu.dma_semaphore, #tpu.memory_space<semaphore_mem>> -> memref<1x!tpu.dma_semaphore, #tpu.memory_space<semaphore_mem>>
    %dma_start3A_122 = tpu.memref_squeeze %dma_start3A_121 : memref<1x!tpu.dma_semaphore, #tpu.memory_space<semaphore_mem>> -> memref<!tpu.dma_semaphore, #tpu.memory_space<semaphore_mem>>
    %dma_start3A_123 = arith.constant 0 : i32
    %dma_start3A_124 = arith.constant 0 : i32
    %dma_start3A_125 = tpu.memref_slice %arg6[%dma_start3A_113, %dma_start3A_123, %dma_start3A_124] : memref<2x125x128xf32, #tpu.memory_space<vmem>> -> memref<1x80x128xf32, #tpu.memory_space<vmem>>
    %dma_start3A_126 = tpu.memref_squeeze %dma_start3A_125 : memref<1x80x128xf32, #tpu.memory_space<vmem>> -> memref<80x128xf32, #tpu.memory_space<vmem>>
    %dma_start3A_127 = arith.constant 0 : i32
    %dma_start3A_128 = tpu.memref_slice %arg7[%add3A_112, %dma_start3A_127] : memref<10240x128xf32, #tpu.memory_space<vmem_shared>> -> memref<80x128xf32, #tpu.memory_space<vmem_shared>>
    tpu.enqueue_dma source(%dma_start3A_128 : memref<80x128xf32, #tpu.memory_space<vmem_shared>>) target(%dma_start3A_126 : memref<80x128xf32, #tpu.memory_space<vmem>>) target_semaphore(%dma_start3A_122 : memref<!tpu.dma_semaphore, #tpu.memory_space<semaphore_mem>>)
    %mul3A_129 = arith.constant 640 : i32
    %mul3A_130 = arith.muli %arg1, %mul3A_129 : i32
    %add3A_131 = arith.constant 0 : i32
    %add3A_132 = arith.addi %mul3A_130, %add3A_131 : i32
    %dma_wait3A_133 = arith.constant 0 : i32
    %dma_wait3A_134 = arith.constant 0 : i32
    %dma_wait3A_135 = arith.constant 0 : i32
    %dma_wait3A_136 = arith.constant 0 : i32
    %dma_wait3A_137 = tpu.memref_slice %arg6[%dma_wait3A_133, %dma_wait3A_135, %dma_wait3A_136] : memref<2x125x128xf32, #tpu.memory_space<vmem>> -> memref<1x80x128xf32, #tpu.memory_space<vmem>>
    %dma_wait3A_138 = tpu.memref_squeeze %dma_wait3A_137 : memref<1x80x128xf32, #tpu.memory_space<vmem>> -> memref<80x128xf32, #tpu.memory_space<vmem>>
    %dma_wait3A_139 = arith.constant 0 : i32
    %dma_wait3A_140 = tpu.memref_slice %arg7[%add3A_132, %dma_wait3A_139] : memref<10240x128xf32, #tpu.memory_space<vmem_shared>> -> memref<80x128xf32, #tpu.memory_space<vmem_shared>>
    %dma_wait3A_141 = tpu.memref_slice %arg8[%dma_wait3A_134] : memref<2x!tpu.dma_semaphore, #tpu.memory_space<semaphore_mem>> -> memref<1x!tpu.dma_semaphore, #tpu.memory_space<semaphore_mem>>
    %dma_wait3A_142 = tpu.memref_squeeze %dma_wait3A_141 : memref<1x!tpu.dma_semaphore, #tpu.memory_space<semaphore_mem>> -> memref<!tpu.dma_semaphore, #tpu.memory_space<semaphore_mem>>
    %dma_wait3A_143 = arith.constant 0 : i32
    %dma_wait3A_144 = arith.constant 0 : i32
    %dma_wait3A_145 = tpu.memref_slice %arg6[%dma_wait3A_133, %dma_wait3A_143, %dma_wait3A_144] : memref<2x125x128xf32, #tpu.memory_space<vmem>> -> memref<1x80x128xf32, #tpu.memory_space<vmem>>
    %dma_wait3A_146 = tpu.memref_squeeze %dma_wait3A_145 : memref<1x80x128xf32, #tpu.memory_space<vmem>> -> memref<80x128xf32, #tpu.memory_space<vmem>>
    %dma_wait3A_147 = arith.constant 0 : i32
    %dma_wait3A_148 = tpu.memref_slice %arg7[%add3A_132, %dma_wait3A_147] : memref<10240x128xf32, #tpu.memory_space<vmem_shared>> -> memref<80x128xf32, #tpu.memory_space<vmem_shared>>
    tpu.wait_dma2 semaphore(%dma_wait3A_142 : memref<!tpu.dma_semaphore, #tpu.memory_space<semaphore_mem>>) src(%dma_wait3A_148 : memref<80x128xf32, #tpu.memory_space<vmem_shared>>) dst(%dma_wait3A_146 : memref<80x128xf32, #tpu.memory_space<vmem>>)
    %mul3A_149 = arith.constant 640 : i32
    %mul3A_150 = arith.muli %arg1, %mul3A_149 : i32
    %add3A_151 = arith.constant 0 : i32
    %add3A_152 = arith.addi %mul3A_150, %add3A_151 : i32
    %dma_start3A_153 = arith.constant 0 : i32
    %dma_start3A_154 = arith.constant 0 : i32
    %dma_start3A_155 = arith.constant 0 : i32
    %dma_start3A_156 = arith.constant 0 : i32
    %dma_start3A_157 = tpu.memref_slice %arg6[%dma_start3A_153, %dma_start3A_155, %dma_start3A_156] : memref<2x125x128xf32, #tpu.memory_space<vmem>> -> memref<1x80x128xf32, #tpu.memory_space<vmem>>
    %dma_start3A_158 = tpu.memref_squeeze %dma_start3A_157 : memref<1x80x128xf32, #tpu.memory_space<vmem>> -> memref<80x128xf32, #tpu.memory_space<vmem>>
    %dma_start3A_159 = arith.constant 0 : i32
    %dma_start3A_160 = tpu.memref_slice %arg4[%arg0, %add3A_152, %dma_start3A_159] : memref<2x10240x128xf32, #tpu.memory_space<hbm>> -> memref<1x80x128xf32, #tpu.memory_space<hbm>>
    %dma_start3A_161 = tpu.memref_squeeze %dma_start3A_160 : memref<1x80x128xf32, #tpu.memory_space<hbm>> -> memref<80x128xf32, #tpu.memory_space<hbm>>
    %dma_start3A_162 = tpu.memref_slice %arg9[%dma_start3A_154] : memref<2x!tpu.dma_semaphore, #tpu.memory_space<semaphore_mem>> -> memref<1x!tpu.dma_semaphore, #tpu.memory_space<semaphore_mem>>
    %dma_start3A_163 = tpu.memref_squeeze %dma_start3A_162 : memref<1x!tpu.dma_semaphore, #tpu.memory_space<semaphore_mem>> -> memref<!tpu.dma_semaphore, #tpu.memory_space<semaphore_mem>>
    %dma_start3A_164 = arith.constant 0 : i32
    %dma_start3A_165 = tpu.memref_slice %arg4[%arg0, %add3A_152, %dma_start3A_164] : memref<2x10240x128xf32, #tpu.memory_space<hbm>> -> memref<1x80x128xf32, #tpu.memory_space<hbm>>
    %dma_start3A_166 = tpu.memref_squeeze %dma_start3A_165 : memref<1x80x128xf32, #tpu.memory_space<hbm>> -> memref<80x128xf32, #tpu.memory_space<hbm>>
    %dma_start3A_167 = arith.constant 0 : i32
    %dma_start3A_168 = arith.constant 0 : i32
    %dma_start3A_169 = tpu.memref_slice %arg6[%dma_start3A_153, %dma_start3A_167, %dma_start3A_168] : memref<2x125x128xf32, #tpu.memory_space<vmem>> -> memref<1x80x128xf32, #tpu.memory_space<vmem>>
    %dma_start3A_170 = tpu.memref_squeeze %dma_start3A_169 : memref<1x80x128xf32, #tpu.memory_space<vmem>> -> memref<80x128xf32, #tpu.memory_space<vmem>>
    tpu.enqueue_dma source(%dma_start3A_170 : memref<80x128xf32, #tpu.memory_space<vmem>>) target(%dma_start3A_166 : memref<80x128xf32, #tpu.memory_space<hbm>>) target_semaphore(%dma_start3A_163 : memref<!tpu.dma_semaphore, #tpu.memory_space<semaphore_mem>>)
    %mul3A_171 = arith.constant 640 : i32
    %mul3A_172 = arith.muli %arg1, %mul3A_171 : i32
    %add3A_173 = arith.constant 80 : i32
    %add3A_174 = arith.addi %mul3A_172, %add3A_173 : i32
    %dma_start3A_175 = arith.constant 1 : i32
    %dma_start3A_176 = arith.constant 1 : i32
    %dma_start3A_177 = arith.constant 0 : i32
    %dma_start3A_178 = arith.constant 0 : i32
    %dma_start3A_179 = tpu.memref_slice %arg6[%dma_start3A_175, %dma_start3A_177, %dma_start3A_178] : memref<2x125x128xf32, #tpu.memory_space<vmem>> -> memref<1x80x128xf32, #tpu.memory_space<vmem>>
    %dma_start3A_180 = tpu.memref_squeeze %dma_start3A_179 : memref<1x80x128xf32, #tpu.memory_space<vmem>> -> memref<80x128xf32, #tpu.memory_space<vmem>>
    %dma_start3A_181 = arith.constant 0 : i32
    %dma_start3A_182 = tpu.memref_slice %arg7[%add3A_174, %dma_start3A_181] : memref<10240x128xf32, #tpu.memory_space<vmem_shared>> -> memref<80x128xf32, #tpu.memory_space<vmem_shared>>
    %dma_start3A_183 = tpu.memref_slice %arg8[%dma_start3A_176] : memref<2x!tpu.dma_semaphore, #tpu.memory_space<semaphore_mem>> -> memref<1x!tpu.dma_semaphore, #tpu.memory_space<semaphore_mem>>
    %dma_start3A_184 = tpu.memref_squeeze %dma_start3A_183 : memref<1x!tpu.dma_semaphore, #tpu.memory_space<semaphore_mem>> -> memref<!tpu.dma_semaphore, #tpu.memory_space<semaphore_mem>>
    %dma_start3A_185 = arith.constant 0 : i32
    %dma_start3A_186 = arith.constant 0 : i32
    %dma_start3A_187 = tpu.memref_slice %arg6[%dma_start3A_175, %dma_start3A_185, %dma_start3A_186] : memref<2x125x128xf32, #tpu.memory_space<vmem>> -> memref<1x80x128xf32, #tpu.memory_space<vmem>>
    %dma_start3A_188 = tpu.memref_squeeze %dma_start3A_187 : memref<1x80x128xf32, #tpu.memory_space<vmem>> -> memref<80x128xf32, #tpu.memory_space<vmem>>
    %dma_start3A_189 = arith.constant 0 : i32
    %dma_start3A_190 = tpu.memref_slice %arg7[%add3A_174, %dma_start3A_189] : memref<10240x128xf32, #tpu.memory_space<vmem_shared>> -> memref<80x128xf32, #tpu.memory_space<vmem_shared>>
    tpu.enqueue_dma source(%dma_start3A_190 : memref<80x128xf32, #tpu.memory_space<vmem_shared>>) target(%dma_start3A_188 : memref<80x128xf32, #tpu.memory_space<vmem>>) target_semaphore(%dma_start3A_184 : memref<!tpu.dma_semaphore, #tpu.memory_space<semaphore_mem>>)
    %mul3A_191 = arith.constant 640 : i32
    %mul3A_192 = arith.muli %arg1, %mul3A_191 : i32
    %add3A_193 = arith.constant 80 : i32
    %add3A_194 = arith.addi %mul3A_192, %add3A_193 : i32
    %dma_wait3A_195 = arith.constant 1 : i32
    %dma_wait3A_196 = arith.constant 1 : i32
    %dma_wait3A_197 = arith.constant 0 : i32
    %dma_wait3A_198 = arith.constant 0 : i32
    %dma_wait3A_199 = tpu.memref_slice %arg6[%dma_wait3A_195, %dma_wait3A_197, %dma_wait3A_198] : memref<2x125x128xf32, #tpu.memory_space<vmem>> -> memref<1x80x128xf32, #tpu.memory_space<vmem>>
    %dma_wait3A_200 = tpu.memref_squeeze %dma_wait3A_199 : memref<1x80x128xf32, #tpu.memory_space<vmem>> -> memref<80x128xf32, #tpu.memory_space<vmem>>
    %dma_wait3A_201 = arith.constant 0 : i32
    %dma_wait3A_202 = tpu.memref_slice %arg7[%add3A_194, %dma_wait3A_201] : memref<10240x128xf32, #tpu.memory_space<vmem_shared>> -> memref<80x128xf32, #tpu.memory_space<vmem_shared>>
    %dma_wait3A_203 = tpu.memref_slice %arg8[%dma_wait3A_196] : memref<2x!tpu.dma_semaphore, #tpu.memory_space<semaphore_mem>> -> memref<1x!tpu.dma_semaphore, #tpu.memory_space<semaphore_mem>>
    %dma_wait3A_204 = tpu.memref_squeeze %dma_wait3A_203 : memref<1x!tpu.dma_semaphore, #tpu.memory_space<semaphore_mem>> -> memref<!tpu.dma_semaphore, #tpu.memory_space<semaphore_mem>>
    %dma_wait3A_205 = arith.constant 0 : i32
    %dma_wait3A_206 = arith.constant 0 : i32
    %dma_wait3A_207 = tpu.memref_slice %arg6[%dma_wait3A_195, %dma_wait3A_205, %dma_wait3A_206] : memref<2x125x128xf32, #tpu.memory_space<vmem>> -> memref<1x80x128xf32, #tpu.memory_space<vmem>>
    %dma_wait3A_208 = tpu.memref_squeeze %dma_wait3A_207 : memref<1x80x128xf32, #tpu.memory_space<vmem>> -> memref<80x128xf32, #tpu.memory_space<vmem>>
    %dma_wait3A_209 = arith.constant 0 : i32
    %dma_wait3A_210 = tpu.memref_slice %arg7[%add3A_194, %dma_wait3A_209] : memref<10240x128xf32, #tpu.memory_space<vmem_shared>> -> memref<80x128xf32, #tpu.memory_space<vmem_shared>>
    tpu.wait_dma2 semaphore(%dma_wait3A_204 : memref<!tpu.dma_semaphore, #tpu.memory_space<semaphore_mem>>) src(%dma_wait3A_210 : memref<80x128xf32, #tpu.memory_space<vmem_shared>>) dst(%dma_wait3A_208 : memref<80x128xf32, #tpu.memory_space<vmem>>)
    %mul3A_211 = arith.constant 640 : i32
    %mul3A_212 = arith.muli %arg1, %mul3A_211 : i32
    %add3A_213 = arith.constant 80 : i32
    %add3A_214 = arith.addi %mul3A_212, %add3A_213 : i32
    %dma_start3A_215 = arith.constant 1 : i32
    %dma_start3A_216 = arith.constant 1 : i32
    %dma_start3A_217 = arith.constant 0 : i32
    %dma_start3A_218 = arith.constant 0 : i32
    %dma_start3A_219 = tpu.memref_slice %arg6[%dma_start3A_215, %dma_start3A_217, %dma_start3A_218] : memref<2x125x128xf32, #tpu.memory_space<vmem>> -> memref<1x80x128xf32, #tpu.memory_space<vmem>>
    %dma_start3A_220 = tpu.memref_squeeze %dma_start3A_219 : memref<1x80x128xf32, #tpu.memory_space<vmem>> -> memref<80x128xf32, #tpu.memory_space<vmem>>
    %dma_start3A_221 = arith.constant 0 : i32
    %dma_start3A_222 = tpu.memref_slice %arg4[%arg0, %add3A_214, %dma_start3A_221] : memref<2x10240x128xf32, #tpu.memory_space<hbm>> -> memref<1x80x128xf32, #tpu.memory_space<hbm>>
    %dma_start3A_223 = tpu.memref_squeeze %dma_start3A_222 : memref<1x80x128xf32, #tpu.memory_space<hbm>> -> memref<80x128xf32, #tpu.memory_space<hbm>>
    %dma_start3A_224 = tpu.memref_slice %arg9[%dma_start3A_216] : memref<2x!tpu.dma_semaphore, #tpu.memory_space<semaphore_mem>> -> memref<1x!tpu.dma_semaphore, #tpu.memory_space<semaphore_mem>>
    %dma_start3A_225 = tpu.memref_squeeze %dma_start3A_224 : memref<1x!tpu.dma_semaphore, #tpu.memory_space<semaphore_mem>> -> memref<!tpu.dma_semaphore, #tpu.memory_space<semaphore_mem>>
    %dma_start3A_226 = arith.constant 0 : i32
    %dma_start3A_227 = tpu.memref_slice %arg4[%arg0, %add3A_214, %dma_start3A_226] : memref<2x10240x128xf32, #tpu.memory_space<hbm>> -> memref<1x80x128xf32, #tpu.memory_space<hbm>>
    %dma_start3A_228 = tpu.memref_squeeze %dma_start3A_227 : memref<1x80x128xf32, #tpu.memory_space<hbm>> -> memref<80x128xf32, #tpu.memory_space<hbm>>
    %dma_start3A_229 = arith.constant 0 : i32
    %dma_start3A_230 = arith.constant 0 : i32
    %dma_start3A_231 = tpu.memref_slice %arg6[%dma_start3A_215, %dma_start3A_229, %dma_start3A_230] : memref<2x125x128xf32, #tpu.memory_space<vmem>> -> memref<1x80x128xf32, #tpu.memory_space<vmem>>
    %dma_start3A_232 = tpu.memref_squeeze %dma_start3A_231 : memref<1x80x128xf32, #tpu.memory_space<vmem>> -> memref<80x128xf32, #tpu.memory_space<vmem>>
    tpu.enqueue_dma source(%dma_start3A_232 : memref<80x128xf32, #tpu.memory_space<vmem>>) target(%dma_start3A_228 : memref<80x128xf32, #tpu.memory_space<hbm>>) target_semaphore(%dma_start3A_225 : memref<!tpu.dma_semaphore, #tpu.memory_space<semaphore_mem>>)
    %mul3A_233 = arith.constant 640 : i32
    %mul3A_234 = arith.muli %arg1, %mul3A_233 : i32
    %add3A_235 = arith.constant 0 : i32
    %add3A_236 = arith.addi %mul3A_234, %add3A_235 : i32
    %dma_wait3A_237 = arith.constant 0 : i32
    %dma_wait3A_238 = arith.constant 0 : i32
    %dma_wait3A_239 = arith.constant 0 : i32
    %dma_wait3A_240 = arith.constant 0 : i32
    %dma_wait3A_241 = tpu.memref_slice %arg6[%dma_wait3A_237, %dma_wait3A_239, %dma_wait3A_240] : memref<2x125x128xf32, #tpu.memory_space<vmem>> -> memref<1x80x128xf32, #tpu.memory_space<vmem>>
    %dma_wait3A_242 = tpu.memref_squeeze %dma_wait3A_241 : memref<1x80x128xf32, #tpu.memory_space<vmem>> -> memref<80x128xf32, #tpu.memory_space<vmem>>
    %dma_wait3A_243 = arith.constant 0 : i32
    %dma_wait3A_244 = tpu.memref_slice %arg4[%arg0, %add3A_236, %dma_wait3A_243] : memref<2x10240x128xf32, #tpu.memory_space<hbm>> -> memref<1x80x128xf32, #tpu.memory_space<hbm>>
    %dma_wait3A_245 = tpu.memref_squeeze %dma_wait3A_244 : memref<1x80x128xf32, #tpu.memory_space<hbm>> -> memref<80x128xf32, #tpu.memory_space<hbm>>
    %dma_wait3A_246 = tpu.memref_slice %arg9[%dma_wait3A_238] : memref<2x!tpu.dma_semaphore, #tpu.memory_space<semaphore_mem>> -> memref<1x!tpu.dma_semaphore, #tpu.memory_space<semaphore_mem>>
    %dma_wait3A_247 = tpu.memref_squeeze %dma_wait3A_246 : memref<1x!tpu.dma_semaphore, #tpu.memory_space<semaphore_mem>> -> memref<!tpu.dma_semaphore, #tpu.memory_space<semaphore_mem>>
    %dma_wait3A_248 = arith.constant 0 : i32
    %dma_wait3A_249 = tpu.memref_slice %arg4[%arg0, %add3A_236, %dma_wait3A_248] : memref<2x10240x128xf32, #tpu.memory_space<hbm>> -> memref<1x80x128xf32, #tpu.memory_space<hbm>>
    %dma_wait3A_250 = tpu.memref_squeeze %dma_wait3A_249 : memref<1x80x128xf32, #tpu.memory_space<hbm>> -> memref<80x128xf32, #tpu.memory_space<hbm>>
    %dma_wait3A_251 = arith.constant 0 : i32
    %dma_wait3A_252 = arith.constant 0 : i32
    %dma_wait3A_253 = tpu.memref_slice %arg6[%dma_wait3A_237, %dma_wait3A_251, %dma_wait3A_252] : memref<2x125x128xf32, #tpu.memory_space<vmem>> -> memref<1x80x128xf32, #tpu.memory_space<vmem>>
    %dma_wait3A_254 = tpu.memref_squeeze %dma_wait3A_253 : memref<1x80x128xf32, #tpu.memory_space<vmem>> -> memref<80x128xf32, #tpu.memory_space<vmem>>
    tpu.wait_dma2 semaphore(%dma_wait3A_247 : memref<!tpu.dma_semaphore, #tpu.memory_space<semaphore_mem>>) src(%dma_wait3A_254 : memref<80x128xf32, #tpu.memory_space<vmem>>) dst(%dma_wait3A_250 : memref<80x128xf32, #tpu.memory_space<hbm>>)
    %mul3A_255 = arith.constant 640 : i32
    %mul3A_256 = arith.muli %arg1, %mul3A_255 : i32
    %add3A_257 = arith.constant 160 : i32
    %add3A_258 = arith.addi %mul3A_256, %add3A_257 : i32
    %dma_start3A_259 = arith.constant 0 : i32
    %dma_start3A_260 = arith.constant 0 : i32
    %dma_start3A_261 = arith.constant 0 : i32
    %dma_start3A_262 = arith.constant 0 : i32
    %dma_start3A_263 = tpu.memref_slice %arg6[%dma_start3A_259, %dma_start3A_261, %dma_start3A_262] : memref<2x125x128xf32, #tpu.memory_space<vmem>> -> memref<1x80x128xf32, #tpu.memory_space<vmem>>
    %dma_start3A_264 = tpu.memref_squeeze %dma_start3A_263 : memref<1x80x128xf32, #tpu.memory_space<vmem>> -> memref<80x128xf32, #tpu.memory_space<vmem>>
    %dma_start3A_265 = arith.constant 0 : i32
    %dma_start3A_266 = tpu.memref_slice %arg7[%add3A_258, %dma_start3A_265] : memref<10240x128xf32, #tpu.memory_space<vmem_shared>> -> memref<80x128xf32, #tpu.memory_space<vmem_shared>>
    %dma_start3A_267 = tpu.memref_slice %arg8[%dma_start3A_260] : memref<2x!tpu.dma_semaphore, #tpu.memory_space<semaphore_mem>> -> memref<1x!tpu.dma_semaphore, #tpu.memory_space<semaphore_mem>>
    %dma_start3A_268 = tpu.memref_squeeze %dma_start3A_267 : memref<1x!tpu.dma_semaphore, #tpu.memory_space<semaphore_mem>> -> memref<!tpu.dma_semaphore, #tpu.memory_space<semaphore_mem>>
    %dma_start3A_269 = arith.constant 0 : i32
    %dma_start3A_270 = arith.constant 0 : i32
    %dma_start3A_271 = tpu.memref_slice %arg6[%dma_start3A_259, %dma_start3A_269, %dma_start3A_270] : memref<2x125x128xf32, #tpu.memory_space<vmem>> -> memref<1x80x128xf32, #tpu.memory_space<vmem>>
    %dma_start3A_272 = tpu.memref_squeeze %dma_start3A_271 : memref<1x80x128xf32, #tpu.memory_space<vmem>> -> memref<80x128xf32, #tpu.memory_space<vmem>>
    %dma_start3A_273 = arith.constant 0 : i32
    %dma_start3A_274 = tpu.memref_slice %arg7[%add3A_258, %dma_start3A_273] : memref<10240x128xf32, #tpu.memory_space<vmem_shared>> -> memref<80x128xf32, #tpu.memory_space<vmem_shared>>
    tpu.enqueue_dma source(%dma_start3A_274 : memref<80x128xf32, #tpu.memory_space<vmem_shared>>) target(%dma_start3A_272 : memref<80x128xf32, #tpu.memory_space<vmem>>) target_semaphore(%dma_start3A_268 : memref<!tpu.dma_semaphore, #tpu.memory_space<semaphore_mem>>)
    %mul3A_275 = arith.constant 640 : i32
    %mul3A_276 = arith.muli %arg1, %mul3A_275 : i32
    %add3A_277 = arith.constant 160 : i32
    %add3A_278 = arith.addi %mul3A_276, %add3A_277 : i32
    %dma_wait3A_279 = arith.constant 0 : i32
    %dma_wait3A_280 = arith.constant 0 : i32
    %dma_wait3A_281 = arith.constant 0 : i32
    %dma_wait3A_282 = arith.constant 0 : i32
    %dma_wait3A_283 = tpu.memref_slice %arg6[%dma_wait3A_279, %dma_wait3A_281, %dma_wait3A_282] : memref<2x125x128xf32, #tpu.memory_space<vmem>> -> memref<1x80x128xf32, #tpu.memory_space<vmem>>
    %dma_wait3A_284 = tpu.memref_squeeze %dma_wait3A_283 : memref<1x80x128xf32, #tpu.memory_space<vmem>> -> memref<80x128xf32, #tpu.memory_space<vmem>>
    %dma_wait3A_285 = arith.constant 0 : i32
    %dma_wait3A_286 = tpu.memref_slice %arg7[%add3A_278, %dma_wait3A_285] : memref<10240x128xf32, #tpu.memory_space<vmem_shared>> -> memref<80x128xf32, #tpu.memory_space<vmem_shared>>
    %dma_wait3A_287 = tpu.memref_slice %arg8[%dma_wait3A_280] : memref<2x!tpu.dma_semaphore, #tpu.memory_space<semaphore_mem>> -> memref<1x!tpu.dma_semaphore, #tpu.memory_space<semaphore_mem>>
    %dma_wait3A_288 = tpu.memref_squeeze %dma_wait3A_287 : memref<1x!tpu.dma_semaphore, #tpu.memory_space<semaphore_mem>> -> memref<!tpu.dma_semaphore, #tpu.memory_space<semaphore_mem>>
    %dma_wait3A_289 = arith.constant 0 : i32
    %dma_wait3A_290 = arith.constant 0 : i32
    %dma_wait3A_291 = tpu.memref_slice %arg6[%dma_wait3A_279, %dma_wait3A_289, %dma_wait3A_290] : memref<2x125x128xf32, #tpu.memory_space<vmem>> -> memref<1x80x128xf32, #tpu.memory_space<vmem>>
    %dma_wait3A_292 = tpu.memref_squeeze %dma_wait3A_291 : memref<1x80x128xf32, #tpu.memory_space<vmem>> -> memref<80x128xf32, #tpu.memory_space<vmem>>
    %dma_wait3A_293 = arith.constant 0 : i32
    %dma_wait3A_294 = tpu.memref_slice %arg7[%add3A_278, %dma_wait3A_293] : memref<10240x128xf32, #tpu.memory_space<vmem_shared>> -> memref<80x128xf32, #tpu.memory_space<vmem_shared>>
    tpu.wait_dma2 semaphore(%dma_wait3A_288 : memref<!tpu.dma_semaphore, #tpu.memory_space<semaphore_mem>>) src(%dma_wait3A_294 : memref<80x128xf32, #tpu.memory_space<vmem_shared>>) dst(%dma_wait3A_292 : memref<80x128xf32, #tpu.memory_space<vmem>>)
    %mul3A_295 = arith.constant 640 : i32
    %mul3A_296 = arith.muli %arg1, %mul3A_295 : i32
    %add3A_297 = arith.constant 160 : i32
    %add3A_298 = arith.addi %mul3A_296, %add3A_297 : i32
    %dma_start3A_299 = arith.constant 0 : i32
    %dma_start3A_300 = arith.constant 0 : i32
    %dma_start3A_301 = arith.constant 0 : i32
    %dma_start3A_302 = arith.constant 0 : i32
    %dma_start3A_303 = tpu.memref_slice %arg6[%dma_start3A_299, %dma_start3A_301, %dma_start3A_302] : memref<2x125x128xf32, #tpu.memory_space<vmem>> -> memref<1x80x128xf32, #tpu.memory_space<vmem>>
    %dma_start3A_304 = tpu.memref_squeeze %dma_start3A_303 : memref<1x80x128xf32, #tpu.memory_space<vmem>> -> memref<80x128xf32, #tpu.memory_space<vmem>>
    %dma_start3A_305 = arith.constant 0 : i32
    %dma_start3A_306 = tpu.memref_slice %arg4[%arg0, %add3A_298, %dma_start3A_305] : memref<2x10240x128xf32, #tpu.memory_space<hbm>> -> memref<1x80x128xf32, #tpu.memory_space<hbm>>
    %dma_start3A_307 = tpu.memref_squeeze %dma_start3A_306 : memref<1x80x128xf32, #tpu.memory_space<hbm>> -> memref<80x128xf32, #tpu.memory_space<hbm>>
    %dma_start3A_308 = tpu.memref_slice %arg9[%dma_start3A_300] : memref<2x!tpu.dma_semaphore, #tpu.memory_space<semaphore_mem>> -> memref<1x!tpu.dma_semaphore, #tpu.memory_space<semaphore_mem>>
    %dma_start3A_309 = tpu.memref_squeeze %dma_start3A_308 : memref<1x!tpu.dma_semaphore, #tpu.memory_space<semaphore_mem>> -> memref<!tpu.dma_semaphore, #tpu.memory_space<semaphore_mem>>
    %dma_start3A_310 = arith.constant 0 : i32
    %dma_start3A_311 = tpu.memref_slice %arg4[%arg0, %add3A_298, %dma_start3A_310] : memref<2x10240x128xf32, #tpu.memory_space<hbm>> -> memref<1x80x128xf32, #tpu.memory_space<hbm>>
    %dma_start3A_312 = tpu.memref_squeeze %dma_start3A_311 : memref<1x80x128xf32, #tpu.memory_space<hbm>> -> memref<80x128xf32, #tpu.memory_space<hbm>>
    %dma_start3A_313 = arith.constant 0 : i32
    %dma_start3A_314 = arith.constant 0 : i32
    %dma_start3A_315 = tpu.memref_slice %arg6[%dma_start3A_299, %dma_start3A_313, %dma_start3A_314] : memref<2x125x128xf32, #tpu.memory_space<vmem>> -> memref<1x80x128xf32, #tpu.memory_space<vmem>>
    %dma_start3A_316 = tpu.memref_squeeze %dma_start3A_315 : memref<1x80x128xf32, #tpu.memory_space<vmem>> -> memref<80x128xf32, #tpu.memory_space<vmem>>
    tpu.enqueue_dma source(%dma_start3A_316 : memref<80x128xf32, #tpu.memory_space<vmem>>) target(%dma_start3A_312 : memref<80x128xf32, #tpu.memory_space<hbm>>) target_semaphore(%dma_start3A_309 : memref<!tpu.dma_semaphore, #tpu.memory_space<semaphore_mem>>)
    %mul3A_317 = arith.constant 640 : i32
    %mul3A_318 = arith.muli %arg1, %mul3A_317 : i32
    %add3A_319 = arith.constant 80 : i32
    %add3A_320 = arith.addi %mul3A_318, %add3A_319 : i32
    %dma_wait3A_321 = arith.constant 1 : i32
    %dma_wait3A_322 = arith.constant 1 : i32
    %dma_wait3A_323 = arith.constant 0 : i32
    %dma_wait3A_324 = arith.constant 0 : i32
    %dma_wait3A_325 = tpu.memref_slice %arg6[%dma_wait3A_321, %dma_wait3A_323, %dma_wait3A_324] : memref<2x125x128xf32, #tpu.memory_space<vmem>> -> memref<1x80x128xf32, #tpu.memory_space<vmem>>
    %dma_wait3A_326 = tpu.memref_squeeze %dma_wait3A_325 : memref<1x80x128xf32, #tpu.memory_space<vmem>> -> memref<80x128xf32, #tpu.memory_space<vmem>>
    %dma_wait3A_327 = arith.constant 0 : i32
    %dma_wait3A_328 = tpu.memref_slice %arg4[%arg0, %add3A_320, %dma_wait3A_327] : memref<2x10240x128xf32, #tpu.memory_space<hbm>> -> memref<1x80x128xf32, #tpu.memory_space<hbm>>
    %dma_wait3A_329 = tpu.memref_squeeze %dma_wait3A_328 : memref<1x80x128xf32, #tpu.memory_space<hbm>> -> memref<80x128xf32, #tpu.memory_space<hbm>>
    %dma_wait3A_330 = tpu.memref_slice %arg9[%dma_wait3A_322] : memref<2x!tpu.dma_semaphore, #tpu.memory_space<semaphore_mem>> -> memref<1x!tpu.dma_semaphore, #tpu.memory_space<semaphore_mem>>
    %dma_wait3A_331 = tpu.memref_squeeze %dma_wait3A_330 : memref<1x!tpu.dma_semaphore, #tpu.memory_space<semaphore_mem>> -> memref<!tpu.dma_semaphore, #tpu.memory_space<semaphore_mem>>
    %dma_wait3A_332 = arith.constant 0 : i32
    %dma_wait3A_333 = tpu.memref_slice %arg4[%arg0, %add3A_320, %dma_wait3A_332] : memref<2x10240x128xf32, #tpu.memory_space<hbm>> -> memref<1x80x128xf32, #tpu.memory_space<hbm>>
    %dma_wait3A_334 = tpu.memref_squeeze %dma_wait3A_333 : memref<1x80x128xf32, #tpu.memory_space<hbm>> -> memref<80x128xf32, #tpu.memory_space<hbm>>
    %dma_wait3A_335 = arith.constant 0 : i32
    %dma_wait3A_336 = arith.constant 0 : i32
    %dma_wait3A_337 = tpu.memref_slice %arg6[%dma_wait3A_321, %dma_wait3A_335, %dma_wait3A_336] : memref<2x125x128xf32, #tpu.memory_space<vmem>> -> memref<1x80x128xf32, #tpu.memory_space<vmem>>
    %dma_wait3A_338 = tpu.memref_squeeze %dma_wait3A_337 : memref<1x80x128xf32, #tpu.memory_space<vmem>> -> memref<80x128xf32, #tpu.memory_space<vmem>>
    tpu.wait_dma2 semaphore(%dma_wait3A_331 : memref<!tpu.dma_semaphore, #tpu.memory_space<semaphore_mem>>) src(%dma_wait3A_338 : memref<80x128xf32, #tpu.memory_space<vmem>>) dst(%dma_wait3A_334 : memref<80x128xf32, #tpu.memory_space<hbm>>)
    %mul3A_339 = arith.constant 640 : i32
    %mul3A_340 = arith.muli %arg1, %mul3A_339 : i32
    %add3A_341 = arith.constant 240 : i32
    %add3A_342 = arith.addi %mul3A_340, %add3A_341 : i32
    %dma_start3A_343 = arith.constant 1 : i32
    %dma_start3A_344 = arith.constant 1 : i32
    %dma_start3A_345 = arith.constant 0 : i32
    %dma_start3A_346 = arith.constant 0 : i32
    %dma_start3A_347 = tpu.memref_slice %arg6[%dma_start3A_343, %dma_start3A_345, %dma_start3A_346] : memref<2x125x128xf32, #tpu.memory_space<vmem>> -> memref<1x80x128xf32, #tpu.memory_space<vmem>>
    %dma_start3A_348 = tpu.memref_squeeze %dma_start3A_347 : memref<1x80x128xf32, #tpu.memory_space<vmem>> -> memref<80x128xf32, #tpu.memory_space<vmem>>
    %dma_start3A_349 = arith.constant 0 : i32
    %dma_start3A_350 = tpu.memref_slice %arg7[%add3A_342, %dma_start3A_349] : memref<10240x128xf32, #tpu.memory_space<vmem_shared>> -> memref<80x128xf32, #tpu.memory_space<vmem_shared>>
    %dma_start3A_351 = tpu.memref_slice %arg8[%dma_start3A_344] : memref<2x!tpu.dma_semaphore, #tpu.memory_space<semaphore_mem>> -> memref<1x!tpu.dma_semaphore, #tpu.memory_space<semaphore_mem>>
    %dma_start3A_352 = tpu.memref_squeeze %dma_start3A_351 : memref<1x!tpu.dma_semaphore, #tpu.memory_space<semaphore_mem>> -> memref<!tpu.dma_semaphore, #tpu.memory_space<semaphore_mem>>
    %dma_start3A_353 = arith.constant 0 : i32
    %dma_start3A_354 = arith.constant 0 : i32
    %dma_start3A_355 = tpu.memref_slice %arg6[%dma_start3A_343, %dma_start3A_353, %dma_start3A_354] : memref<2x125x128xf32, #tpu.memory_space<vmem>> -> memref<1x80x128xf32, #tpu.memory_space<vmem>>
    %dma_start3A_356 = tpu.memref_squeeze %dma_start3A_355 : memref<1x80x128xf32, #tpu.memory_space<vmem>> -> memref<80x128xf32, #tpu.memory_space<vmem>>
    %dma_start3A_357 = arith.constant 0 : i32
    %dma_start3A_358 = tpu.memref_slice %arg7[%add3A_342, %dma_start3A_357] : memref<10240x128xf32, #tpu.memory_space<vmem_shared>> -> memref<80x128xf32, #tpu.memory_space<vmem_shared>>
    tpu.enqueue_dma source(%dma_start3A_358 : memref<80x128xf32, #tpu.memory_space<vmem_shared>>) target(%dma_start3A_356 : memref<80x128xf32, #tpu.memory_space<vmem>>) target_semaphore(%dma_start3A_352 : memref<!tpu.dma_semaphore, #tpu.memory_space<semaphore_mem>>)
    %mul3A_359 = arith.constant 640 : i32
    %mul3A_360 = arith.muli %arg1, %mul3A_359 : i32
    %add3A_361 = arith.constant 240 : i32
    %add3A_362 = arith.addi %mul3A_360, %add3A_361 : i32
    %dma_wait3A_363 = arith.constant 1 : i32
    %dma_wait3A_364 = arith.constant 1 : i32
    %dma_wait3A_365 = arith.constant 0 : i32
    %dma_wait3A_366 = arith.constant 0 : i32
    %dma_wait3A_367 = tpu.memref_slice %arg6[%dma_wait3A_363, %dma_wait3A_365, %dma_wait3A_366] : memref<2x125x128xf32, #tpu.memory_space<vmem>> -> memref<1x80x128xf32, #tpu.memory_space<vmem>>
    %dma_wait3A_368 = tpu.memref_squeeze %dma_wait3A_367 : memref<1x80x128xf32, #tpu.memory_space<vmem>> -> memref<80x128xf32, #tpu.memory_space<vmem>>
    %dma_wait3A_369 = arith.constant 0 : i32
    %dma_wait3A_370 = tpu.memref_slice %arg7[%add3A_362, %dma_wait3A_369] : memref<10240x128xf32, #tpu.memory_space<vmem_shared>> -> memref<80x128xf32, #tpu.memory_space<vmem_shared>>
    %dma_wait3A_371 = tpu.memref_slice %arg8[%dma_wait3A_364] : memref<2x!tpu.dma_semaphore, #tpu.memory_space<semaphore_mem>> -> memref<1x!tpu.dma_semaphore, #tpu.memory_space<semaphore_mem>>
    %dma_wait3A_372 = tpu.memref_squeeze %dma_wait3A_371 : memref<1x!tpu.dma_semaphore, #tpu.memory_space<semaphore_mem>> -> memref<!tpu.dma_semaphore, #tpu.memory_space<semaphore_mem>>
    %dma_wait3A_373 = arith.constant 0 : i32
    %dma_wait3A_374 = arith.constant 0 : i32
    %dma_wait3A_375 = tpu.memref_slice %arg6[%dma_wait3A_363, %dma_wait3A_373, %dma_wait3A_374] : memref<2x125x128xf32, #tpu.memory_space<vmem>> -> memref<1x80x128xf32, #tpu.memory_space<vmem>>
    %dma_wait3A_376 = tpu.memref_squeeze %dma_wait3A_375 : memref<1x80x128xf32, #tpu.memory_space<vmem>> -> memref<80x128xf32, #tpu.memory_space<vmem>>
    %dma_wait3A_377 = arith.constant 0 : i32
    %dma_wait3A_378 = tpu.memref_slice %arg7[%add3A_362, %dma_wait3A_377] : memref<10240x128xf32, #tpu.memory_space<vmem_shared>> -> memref<80x128xf32, #tpu.memory_space<vmem_shared>>
    tpu.wait_dma2 semaphore(%dma_wait3A_372 : memref<!tpu.dma_semaphore, #tpu.memory_space<semaphore_mem>>) src(%dma_wait3A_378 : memref<80x128xf32, #tpu.memory_space<vmem_shared>>) dst(%dma_wait3A_376 : memref<80x128xf32, #tpu.memory_space<vmem>>)
    %mul3A_379 = arith.constant 640 : i32
    %mul3A_380 = arith.muli %arg1, %mul3A_379 : i32
    %add3A_381 = arith.constant 240 : i32
    %add3A_382 = arith.addi %mul3A_380, %add3A_381 : i32
    %dma_start3A_383 = arith.constant 1 : i32
    %dma_start3A_384 = arith.constant 1 : i32
    %dma_start3A_385 = arith.constant 0 : i32
    %dma_start3A_386 = arith.constant 0 : i32
    %dma_start3A_387 = tpu.memref_slice %arg6[%dma_start3A_383, %dma_start3A_385, %dma_start3A_386] : memref<2x125x128xf32, #tpu.memory_space<vmem>> -> memref<1x80x128xf32, #tpu.memory_space<vmem>>
    %dma_start3A_388 = tpu.memref_squeeze %dma_start3A_387 : memref<1x80x128xf32, #tpu.memory_space<vmem>> -> memref<80x128xf32, #tpu.memory_space<vmem>>
    %dma_start3A_389 = arith.constant 0 : i32
    %dma_start3A_390 = tpu.memref_slice %arg4[%arg0, %add3A_382, %dma_start3A_389] : memref<2x10240x128xf32, #tpu.memory_space<hbm>> -> memref<1x80x128xf32, #tpu.memory_space<hbm>>
    %dma_start3A_391 = tpu.memref_squeeze %dma_start3A_390 : memref<1x80x128xf32, #tpu.memory_space<hbm>> -> memref<80x128xf32, #tpu.memory_space<hbm>>
    %dma_start3A_392 = tpu.memref_slice %arg9[%dma_start3A_384] : memref<2x!tpu.dma_semaphore, #tpu.memory_space<semaphore_mem>> -> memref<1x!tpu.dma_semaphore, #tpu.memory_space<semaphore_mem>>
    %dma_start3A_393 = tpu.memref_squeeze %dma_start3A_392 : memref<1x!tpu.dma_semaphore, #tpu.memory_space<semaphore_mem>> -> memref<!tpu.dma_semaphore, #tpu.memory_space<semaphore_mem>>
    %dma_start3A_394 = arith.constant 0 : i32
    %dma_start3A_395 = tpu.memref_slice %arg4[%arg0, %add3A_382, %dma_start3A_394] : memref<2x10240x128xf32, #tpu.memory_space<hbm>> -> memref<1x80x128xf32, #tpu.memory_space<hbm>>
    %dma_start3A_396 = tpu.memref_squeeze %dma_start3A_395 : memref<1x80x128xf32, #tpu.memory_space<hbm>> -> memref<80x128xf32, #tpu.memory_space<hbm>>
    %dma_start3A_397 = arith.constant 0 : i32
    %dma_start3A_398 = arith.constant 0 : i32
    %dma_start3A_399 = tpu.memref_slice %arg6[%dma_start3A_383, %dma_start3A_397, %dma_start3A_398] : memref<2x125x128xf32, #tpu.memory_space<vmem>> -> memref<1x80x128xf32, #tpu.memory_space<vmem>>
    %dma_start3A_400 = tpu.memref_squeeze %dma_start3A_399 : memref<1x80x128xf32, #tpu.memory_space<vmem>> -> memref<80x128xf32, #tpu.memory_space<vmem>>
    tpu.enqueue_dma source(%dma_start3A_400 : memref<80x128xf32, #tpu.memory_space<vmem>>) target(%dma_start3A_396 : memref<80x128xf32, #tpu.memory_space<hbm>>) target_semaphore(%dma_start3A_393 : memref<!tpu.dma_semaphore, #tpu.memory_space<semaphore_mem>>)
    %mul3A_401 = arith.constant 640 : i32
    %mul3A_402 = arith.muli %arg1, %mul3A_401 : i32
    %add3A_403 = arith.constant 160 : i32
    %add3A_404 = arith.addi %mul3A_402, %add3A_403 : i32
    %dma_wait3A_405 = arith.constant 0 : i32
    %dma_wait3A_406 = arith.constant 0 : i32
    %dma_wait3A_407 = arith.constant 0 : i32
    %dma_wait3A_408 = arith.constant 0 : i32
    %dma_wait3A_409 = tpu.memref_slice %arg6[%dma_wait3A_405, %dma_wait3A_407, %dma_wait3A_408] : memref<2x125x128xf32, #tpu.memory_space<vmem>> -> memref<1x80x128xf32, #tpu.memory_space<vmem>>
    %dma_wait3A_410 = tpu.memref_squeeze %dma_wait3A_409 : memref<1x80x128xf32, #tpu.memory_space<vmem>> -> memref<80x128xf32, #tpu.memory_space<vmem>>
    %dma_wait3A_411 = arith.constant 0 : i32
    %dma_wait3A_412 = tpu.memref_slice %arg4[%arg0, %add3A_404, %dma_wait3A_411] : memref<2x10240x128xf32, #tpu.memory_space<hbm>> -> memref<1x80x128xf32, #tpu.memory_space<hbm>>
    %dma_wait3A_413 = tpu.memref_squeeze %dma_wait3A_412 : memref<1x80x128xf32, #tpu.memory_space<hbm>> -> memref<80x128xf32, #tpu.memory_space<hbm>>
    %dma_wait3A_414 = tpu.memref_slice %arg9[%dma_wait3A_406] : memref<2x!tpu.dma_semaphore, #tpu.memory_space<semaphore_mem>> -> memref<1x!tpu.dma_semaphore, #tpu.memory_space<semaphore_mem>>
    %dma_wait3A_415 = tpu.memref_squeeze %dma_wait3A_414 : memref<1x!tpu.dma_semaphore, #tpu.memory_space<semaphore_mem>> -> memref<!tpu.dma_semaphore, #tpu.memory_space<semaphore_mem>>
    %dma_wait3A_416 = arith.constant 0 : i32
    %dma_wait3A_417 = tpu.memref_slice %arg4[%arg0, %add3A_404, %dma_wait3A_416] : memref<2x10240x128xf32, #tpu.memory_space<hbm>> -> memref<1x80x128xf32, #tpu.memory_space<hbm>>
    %dma_wait3A_418 = tpu.memref_squeeze %dma_wait3A_417 : memref<1x80x128xf32, #tpu.memory_space<hbm>> -> memref<80x128xf32, #tpu.memory_space<hbm>>
    %dma_wait3A_419 = arith.constant 0 : i32
    %dma_wait3A_420 = arith.constant 0 : i32
    %dma_wait3A_421 = tpu.memref_slice %arg6[%dma_wait3A_405, %dma_wait3A_419, %dma_wait3A_420] : memref<2x125x128xf32, #tpu.memory_space<vmem>> -> memref<1x80x128xf32, #tpu.memory_space<vmem>>
    %dma_wait3A_422 = tpu.memref_squeeze %dma_wait3A_421 : memref<1x80x128xf32, #tpu.memory_space<vmem>> -> memref<80x128xf32, #tpu.memory_space<vmem>>
    tpu.wait_dma2 semaphore(%dma_wait3A_415 : memref<!tpu.dma_semaphore, #tpu.memory_space<semaphore_mem>>) src(%dma_wait3A_422 : memref<80x128xf32, #tpu.memory_space<vmem>>) dst(%dma_wait3A_418 : memref<80x128xf32, #tpu.memory_space<hbm>>)
    %mul3A_423 = arith.constant 640 : i32
    %mul3A_424 = arith.muli %arg1, %mul3A_423 : i32
    %add3A_425 = arith.constant 320 : i32
    %add3A_426 = arith.addi %mul3A_424, %add3A_425 : i32
    %dma_start3A_427 = arith.constant 0 : i32
    %dma_start3A_428 = arith.constant 0 : i32
    %dma_start3A_429 = arith.constant 0 : i32
    %dma_start3A_430 = arith.constant 0 : i32
    %dma_start3A_431 = tpu.memref_slice %arg6[%dma_start3A_427, %dma_start3A_429, %dma_start3A_430] : memref<2x125x128xf32, #tpu.memory_space<vmem>> -> memref<1x80x128xf32, #tpu.memory_space<vmem>>
    %dma_start3A_432 = tpu.memref_squeeze %dma_start3A_431 : memref<1x80x128xf32, #tpu.memory_space<vmem>> -> memref<80x128xf32, #tpu.memory_space<vmem>>
    %dma_start3A_433 = arith.constant 0 : i32
    %dma_start3A_434 = tpu.memref_slice %arg7[%add3A_426, %dma_start3A_433] : memref<10240x128xf32, #tpu.memory_space<vmem_shared>> -> memref<80x128xf32, #tpu.memory_space<vmem_shared>>
    %dma_start3A_435 = tpu.memref_slice %arg8[%dma_start3A_428] : memref<2x!tpu.dma_semaphore, #tpu.memory_space<semaphore_mem>> -> memref<1x!tpu.dma_semaphore, #tpu.memory_space<semaphore_mem>>
    %dma_start3A_436 = tpu.memref_squeeze %dma_start3A_435 : memref<1x!tpu.dma_semaphore, #tpu.memory_space<semaphore_mem>> -> memref<!tpu.dma_semaphore, #tpu.memory_space<semaphore_mem>>
    %dma_start3A_437 = arith.constant 0 : i32
    %dma_start3A_438 = arith.constant 0 : i32
    %dma_start3A_439 = tpu.memref_slice %arg6[%dma_start3A_427, %dma_start3A_437, %dma_start3A_438] : memref<2x125x128xf32, #tpu.memory_space<vmem>> -> memref<1x80x128xf32, #tpu.memory_space<vmem>>
    %dma_start3A_440 = tpu.memref_squeeze %dma_start3A_439 : memref<1x80x128xf32, #tpu.memory_space<vmem>> -> memref<80x128xf32, #tpu.memory_space<vmem>>
    %dma_start3A_441 = arith.constant 0 : i32
    %dma_start3A_442 = tpu.memref_slice %arg7[%add3A_426, %dma_start3A_441] : memref<10240x128xf32, #tpu.memory_space<vmem_shared>> -> memref<80x128xf32, #tpu.memory_space<vmem_shared>>
    tpu.enqueue_dma source(%dma_start3A_442 : memref<80x128xf32, #tpu.memory_space<vmem_shared>>) target(%dma_start3A_440 : memref<80x128xf32, #tpu.memory_space<vmem>>) target_semaphore(%dma_start3A_436 : memref<!tpu.dma_semaphore, #tpu.memory_space<semaphore_mem>>)
    %mul3A_443 = arith.constant 640 : i32
    %mul3A_444 = arith.muli %arg1, %mul3A_443 : i32
    %add3A_445 = arith.constant 320 : i32
    %add3A_446 = arith.addi %mul3A_444, %add3A_445 : i32
    %dma_wait3A_447 = arith.constant 0 : i32
    %dma_wait3A_448 = arith.constant 0 : i32
    %dma_wait3A_449 = arith.constant 0 : i32
    %dma_wait3A_450 = arith.constant 0 : i32
    %dma_wait3A_451 = tpu.memref_slice %arg6[%dma_wait3A_447, %dma_wait3A_449, %dma_wait3A_450] : memref<2x125x128xf32, #tpu.memory_space<vmem>> -> memref<1x80x128xf32, #tpu.memory_space<vmem>>
    %dma_wait3A_452 = tpu.memref_squeeze %dma_wait3A_451 : memref<1x80x128xf32, #tpu.memory_space<vmem>> -> memref<80x128xf32, #tpu.memory_space<vmem>>
    %dma_wait3A_453 = arith.constant 0 : i32
    %dma_wait3A_454 = tpu.memref_slice %arg7[%add3A_446, %dma_wait3A_453] : memref<10240x128xf32, #tpu.memory_space<vmem_shared>> -> memref<80x128xf32, #tpu.memory_space<vmem_shared>>
    %dma_wait3A_455 = tpu.memref_slice %arg8[%dma_wait3A_448] : memref<2x!tpu.dma_semaphore, #tpu.memory_space<semaphore_mem>> -> memref<1x!tpu.dma_semaphore, #tpu.memory_space<semaphore_mem>>
    %dma_wait3A_456 = tpu.memref_squeeze %dma_wait3A_455 : memref<1x!tpu.dma_semaphore, #tpu.memory_space<semaphore_mem>> -> memref<!tpu.dma_semaphore, #tpu.memory_space<semaphore_mem>>
    %dma_wait3A_457 = arith.constant 0 : i32
    %dma_wait3A_458 = arith.constant 0 : i32
    %dma_wait3A_459 = tpu.memref_slice %arg6[%dma_wait3A_447, %dma_wait3A_457, %dma_wait3A_458] : memref<2x125x128xf32, #tpu.memory_space<vmem>> -> memref<1x80x128xf32, #tpu.memory_space<vmem>>
    %dma_wait3A_460 = tpu.memref_squeeze %dma_wait3A_459 : memref<1x80x128xf32, #tpu.memory_space<vmem>> -> memref<80x128xf32, #tpu.memory_space<vmem>>
    %dma_wait3A_461 = arith.constant 0 : i32
    %dma_wait3A_462 = tpu.memref_slice %arg7[%add3A_446, %dma_wait3A_461] : memref<10240x128xf32, #tpu.memory_space<vmem_shared>> -> memref<80x128xf32, #tpu.memory_space<vmem_shared>>
    tpu.wait_dma2 semaphore(%dma_wait3A_456 : memref<!tpu.dma_semaphore, #tpu.memory_space<semaphore_mem>>) src(%dma_wait3A_462 : memref<80x128xf32, #tpu.memory_space<vmem_shared>>) dst(%dma_wait3A_460 : memref<80x128xf32, #tpu.memory_space<vmem>>)
    %mul3A_463 = arith.constant 640 : i32
    %mul3A_464 = arith.muli %arg1, %mul3A_463 : i32
    %add3A_465 = arith.constant 320 : i32
    %add3A_466 = arith.addi %mul3A_464, %add3A_465 : i32
    %dma_start3A_467 = arith.constant 0 : i32
    %dma_start3A_468 = arith.constant 0 : i32
    %dma_start3A_469 = arith.constant 0 : i32
    %dma_start3A_470 = arith.constant 0 : i32
    %dma_start3A_471 = tpu.memref_slice %arg6[%dma_start3A_467, %dma_start3A_469, %dma_start3A_470] : memref<2x125x128xf32, #tpu.memory_space<vmem>> -> memref<1x80x128xf32, #tpu.memory_space<vmem>>
    %dma_start3A_472 = tpu.memref_squeeze %dma_start3A_471 : memref<1x80x128xf32, #tpu.memory_space<vmem>> -> memref<80x128xf32, #tpu.memory_space<vmem>>
    %dma_start3A_473 = arith.constant 0 : i32
    %dma_start3A_474 = tpu.memref_slice %arg4[%arg0, %add3A_466, %dma_start3A_473] : memref<2x10240x128xf32, #tpu.memory_space<hbm>> -> memref<1x80x128xf32, #tpu.memory_space<hbm>>
    %dma_start3A_475 = tpu.memref_squeeze %dma_start3A_474 : memref<1x80x128xf32, #tpu.memory_space<hbm>> -> memref<80x128xf32, #tpu.memory_space<hbm>>
    %dma_start3A_476 = tpu.memref_slice %arg9[%dma_start3A_468] : memref<2x!tpu.dma_semaphore, #tpu.memory_space<semaphore_mem>> -> memref<1x!tpu.dma_semaphore, #tpu.memory_space<semaphore_mem>>
    %dma_start3A_477 = tpu.memref_squeeze %dma_start3A_476 : memref<1x!tpu.dma_semaphore, #tpu.memory_space<semaphore_mem>> -> memref<!tpu.dma_semaphore, #tpu.memory_space<semaphore_mem>>
    %dma_start3A_478 = arith.constant 0 : i32
    %dma_start3A_479 = tpu.memref_slice %arg4[%arg0, %add3A_466, %dma_start3A_478] : memref<2x10240x128xf32, #tpu.memory_space<hbm>> -> memref<1x80x128xf32, #tpu.memory_space<hbm>>
    %dma_start3A_480 = tpu.memref_squeeze %dma_start3A_479 : memref<1x80x128xf32, #tpu.memory_space<hbm>> -> memref<80x128xf32, #tpu.memory_space<hbm>>
    %dma_start3A_481 = arith.constant 0 : i32
    %dma_start3A_482 = arith.constant 0 : i32
    %dma_start3A_483 = tpu.memref_slice %arg6[%dma_start3A_467, %dma_start3A_481, %dma_start3A_482] : memref<2x125x128xf32, #tpu.memory_space<vmem>> -> memref<1x80x128xf32, #tpu.memory_space<vmem>>
    %dma_start3A_484 = tpu.memref_squeeze %dma_start3A_483 : memref<1x80x128xf32, #tpu.memory_space<vmem>> -> memref<80x128xf32, #tpu.memory_space<vmem>>
    tpu.enqueue_dma source(%dma_start3A_484 : memref<80x128xf32, #tpu.memory_space<vmem>>) target(%dma_start3A_480 : memref<80x128xf32, #tpu.memory_space<hbm>>) target_semaphore(%dma_start3A_477 : memref<!tpu.dma_semaphore, #tpu.memory_space<semaphore_mem>>)
    %mul3A_485 = arith.constant 640 : i32
    %mul3A_486 = arith.muli %arg1, %mul3A_485 : i32
    %add3A_487 = arith.constant 240 : i32
    %add3A_488 = arith.addi %mul3A_486, %add3A_487 : i32
    %dma_wait3A_489 = arith.constant 1 : i32
    %dma_wait3A_490 = arith.constant 1 : i32
    %dma_wait3A_491 = arith.constant 0 : i32
    %dma_wait3A_492 = arith.constant 0 : i32
    %dma_wait3A_493 = tpu.memref_slice %arg6[%dma_wait3A_489, %dma_wait3A_491, %dma_wait3A_492] : memref<2x125x128xf32, #tpu.memory_space<vmem>> -> memref<1x80x128xf32, #tpu.memory_space<vmem>>
    %dma_wait3A_494 = tpu.memref_squeeze %dma_wait3A_493 : memref<1x80x128xf32, #tpu.memory_space<vmem>> -> memref<80x128xf32, #tpu.memory_space<vmem>>
    %dma_wait3A_495 = arith.constant 0 : i32
    %dma_wait3A_496 = tpu.memref_slice %arg4[%arg0, %add3A_488, %dma_wait3A_495] : memref<2x10240x128xf32, #tpu.memory_space<hbm>> -> memref<1x80x128xf32, #tpu.memory_space<hbm>>
    %dma_wait3A_497 = tpu.memref_squeeze %dma_wait3A_496 : memref<1x80x128xf32, #tpu.memory_space<hbm>> -> memref<80x128xf32, #tpu.memory_space<hbm>>
    %dma_wait3A_498 = tpu.memref_slice %arg9[%dma_wait3A_490] : memref<2x!tpu.dma_semaphore, #tpu.memory_space<semaphore_mem>> -> memref<1x!tpu.dma_semaphore, #tpu.memory_space<semaphore_mem>>
    %dma_wait3A_499 = tpu.memref_squeeze %dma_wait3A_498 : memref<1x!tpu.dma_semaphore, #tpu.memory_space<semaphore_mem>> -> memref<!tpu.dma_semaphore, #tpu.memory_space<semaphore_mem>>
    %dma_wait3A_500 = arith.constant 0 : i32
    %dma_wait3A_501 = tpu.memref_slice %arg4[%arg0, %add3A_488, %dma_wait3A_500] : memref<2x10240x128xf32, #tpu.memory_space<hbm>> -> memref<1x80x128xf32, #tpu.memory_space<hbm>>
    %dma_wait3A_502 = tpu.memref_squeeze %dma_wait3A_501 : memref<1x80x128xf32, #tpu.memory_space<hbm>> -> memref<80x128xf32, #tpu.memory_space<hbm>>
    %dma_wait3A_503 = arith.constant 0 : i32
    %dma_wait3A_504 = arith.constant 0 : i32
    %dma_wait3A_505 = tpu.memref_slice %arg6[%dma_wait3A_489, %dma_wait3A_503, %dma_wait3A_504] : memref<2x125x128xf32, #tpu.memory_space<vmem>> -> memref<1x80x128xf32, #tpu.memory_space<vmem>>
    %dma_wait3A_506 = tpu.memref_squeeze %dma_wait3A_505 : memref<1x80x128xf32, #tpu.memory_space<vmem>> -> memref<80x128xf32, #tpu.memory_space<vmem>>
    tpu.wait_dma2 semaphore(%dma_wait3A_499 : memref<!tpu.dma_semaphore, #tpu.memory_space<semaphore_mem>>) src(%dma_wait3A_506 : memref<80x128xf32, #tpu.memory_space<vmem>>) dst(%dma_wait3A_502 : memref<80x128xf32, #tpu.memory_space<hbm>>)
    %mul3A_507 = arith.constant 640 : i32
    %mul3A_508 = arith.muli %arg1, %mul3A_507 : i32
    %add3A_509 = arith.constant 400 : i32
    %add3A_510 = arith.addi %mul3A_508, %add3A_509 : i32
    %dma_start3A_511 = arith.constant 1 : i32
    %dma_start3A_512 = arith.constant 1 : i32
    %dma_start3A_513 = arith.constant 0 : i32
    %dma_start3A_514 = arith.constant 0 : i32
    %dma_start3A_515 = tpu.memref_slice %arg6[%dma_start3A_511, %dma_start3A_513, %dma_start3A_514] : memref<2x125x128xf32, #tpu.memory_space<vmem>> -> memref<1x80x128xf32, #tpu.memory_space<vmem>>
    %dma_start3A_516 = tpu.memref_squeeze %dma_start3A_515 : memref<1x80x128xf32, #tpu.memory_space<vmem>> -> memref<80x128xf32, #tpu.memory_space<vmem>>
    %dma_start3A_517 = arith.constant 0 : i32
    %dma_start3A_518 = tpu.memref_slice %arg7[%add3A_510, %dma_start3A_517] : memref<10240x128xf32, #tpu.memory_space<vmem_shared>> -> memref<80x128xf32, #tpu.memory_space<vmem_shared>>
    %dma_start3A_519 = tpu.memref_slice %arg8[%dma_start3A_512] : memref<2x!tpu.dma_semaphore, #tpu.memory_space<semaphore_mem>> -> memref<1x!tpu.dma_semaphore, #tpu.memory_space<semaphore_mem>>
    %dma_start3A_520 = tpu.memref_squeeze %dma_start3A_519 : memref<1x!tpu.dma_semaphore, #tpu.memory_space<semaphore_mem>> -> memref<!tpu.dma_semaphore, #tpu.memory_space<semaphore_mem>>
    %dma_start3A_521 = arith.constant 0 : i32
    %dma_start3A_522 = arith.constant 0 : i32
    %dma_start3A_523 = tpu.memref_slice %arg6[%dma_start3A_511, %dma_start3A_521, %dma_start3A_522] : memref<2x125x128xf32, #tpu.memory_space<vmem>> -> memref<1x80x128xf32, #tpu.memory_space<vmem>>
    %dma_start3A_524 = tpu.memref_squeeze %dma_start3A_523 : memref<1x80x128xf32, #tpu.memory_space<vmem>> -> memref<80x128xf32, #tpu.memory_space<vmem>>
    %dma_start3A_525 = arith.constant 0 : i32
    %dma_start3A_526 = tpu.memref_slice %arg7[%add3A_510, %dma_start3A_525] : memref<10240x128xf32, #tpu.memory_space<vmem_shared>> -> memref<80x128xf32, #tpu.memory_space<vmem_shared>>
    tpu.enqueue_dma source(%dma_start3A_526 : memref<80x128xf32, #tpu.memory_space<vmem_shared>>) target(%dma_start3A_524 : memref<80x128xf32, #tpu.memory_space<vmem>>) target_semaphore(%dma_start3A_520 : memref<!tpu.dma_semaphore, #tpu.memory_space<semaphore_mem>>)
    %mul3A_527 = arith.constant 640 : i32
    %mul3A_528 = arith.muli %arg1, %mul3A_527 : i32
    %add3A_529 = arith.constant 400 : i32
    %add3A_530 = arith.addi %mul3A_528, %add3A_529 : i32
    %dma_wait3A_531 = arith.constant 1 : i32
    %dma_wait3A_532 = arith.constant 1 : i32
    %dma_wait3A_533 = arith.constant 0 : i32
    %dma_wait3A_534 = arith.constant 0 : i32
    %dma_wait3A_535 = tpu.memref_slice %arg6[%dma_wait3A_531, %dma_wait3A_533, %dma_wait3A_534] : memref<2x125x128xf32, #tpu.memory_space<vmem>> -> memref<1x80x128xf32, #tpu.memory_space<vmem>>
    %dma_wait3A_536 = tpu.memref_squeeze %dma_wait3A_535 : memref<1x80x128xf32, #tpu.memory_space<vmem>> -> memref<80x128xf32, #tpu.memory_space<vmem>>
    %dma_wait3A_537 = arith.constant 0 : i32
    %dma_wait3A_538 = tpu.memref_slice %arg7[%add3A_530, %dma_wait3A_537] : memref<10240x128xf32, #tpu.memory_space<vmem_shared>> -> memref<80x128xf32, #tpu.memory_space<vmem_shared>>
    %dma_wait3A_539 = tpu.memref_slice %arg8[%dma_wait3A_532] : memref<2x!tpu.dma_semaphore, #tpu.memory_space<semaphore_mem>> -> memref<1x!tpu.dma_semaphore, #tpu.memory_space<semaphore_mem>>
    %dma_wait3A_540 = tpu.memref_squeeze %dma_wait3A_539 : memref<1x!tpu.dma_semaphore, #tpu.memory_space<semaphore_mem>> -> memref<!tpu.dma_semaphore, #tpu.memory_space<semaphore_mem>>
    %dma_wait3A_541 = arith.constant 0 : i32
    %dma_wait3A_542 = arith.constant 0 : i32
    %dma_wait3A_543 = tpu.memref_slice %arg6[%dma_wait3A_531, %dma_wait3A_541, %dma_wait3A_542] : memref<2x125x128xf32, #tpu.memory_space<vmem>> -> memref<1x80x128xf32, #tpu.memory_space<vmem>>
    %dma_wait3A_544 = tpu.memref_squeeze %dma_wait3A_543 : memref<1x80x128xf32, #tpu.memory_space<vmem>> -> memref<80x128xf32, #tpu.memory_space<vmem>>
    %dma_wait3A_545 = arith.constant 0 : i32
    %dma_wait3A_546 = tpu.memref_slice %arg7[%add3A_530, %dma_wait3A_545] : memref<10240x128xf32, #tpu.memory_space<vmem_shared>> -> memref<80x128xf32, #tpu.memory_space<vmem_shared>>
    tpu.wait_dma2 semaphore(%dma_wait3A_540 : memref<!tpu.dma_semaphore, #tpu.memory_space<semaphore_mem>>) src(%dma_wait3A_546 : memref<80x128xf32, #tpu.memory_space<vmem_shared>>) dst(%dma_wait3A_544 : memref<80x128xf32, #tpu.memory_space<vmem>>)
    %mul3A_547 = arith.constant 640 : i32
    %mul3A_548 = arith.muli %arg1, %mul3A_547 : i32
    %add3A_549 = arith.constant 400 : i32
    %add3A_550 = arith.addi %mul3A_548, %add3A_549 : i32
    %dma_start3A_551 = arith.constant 1 : i32
    %dma_start3A_552 = arith.constant 1 : i32
    %dma_start3A_553 = arith.constant 0 : i32
    %dma_start3A_554 = arith.constant 0 : i32
    %dma_start3A_555 = tpu.memref_slice %arg6[%dma_start3A_551, %dma_start3A_553, %dma_start3A_554] : memref<2x125x128xf32, #tpu.memory_space<vmem>> -> memref<1x80x128xf32, #tpu.memory_space<vmem>>
    %dma_start3A_556 = tpu.memref_squeeze %dma_start3A_555 : memref<1x80x128xf32, #tpu.memory_space<vmem>> -> memref<80x128xf32, #tpu.memory_space<vmem>>
    %dma_start3A_557 = arith.constant 0 : i32
    %dma_start3A_558 = tpu.memref_slice %arg4[%arg0, %add3A_550, %dma_start3A_557] : memref<2x10240x128xf32, #tpu.memory_space<hbm>> -> memref<1x80x128xf32, #tpu.memory_space<hbm>>
    %dma_start3A_559 = tpu.memref_squeeze %dma_start3A_558 : memref<1x80x128xf32, #tpu.memory_space<hbm>> -> memref<80x128xf32, #tpu.memory_space<hbm>>
    %dma_start3A_560 = tpu.memref_slice %arg9[%dma_start3A_552] : memref<2x!tpu.dma_semaphore, #tpu.memory_space<semaphore_mem>> -> memref<1x!tpu.dma_semaphore, #tpu.memory_space<semaphore_mem>>
    %dma_start3A_561 = tpu.memref_squeeze %dma_start3A_560 : memref<1x!tpu.dma_semaphore, #tpu.memory_space<semaphore_mem>> -> memref<!tpu.dma_semaphore, #tpu.memory_space<semaphore_mem>>
    %dma_start3A_562 = arith.constant 0 : i32
    %dma_start3A_563 = tpu.memref_slice %arg4[%arg0, %add3A_550, %dma_start3A_562] : memref<2x10240x128xf32, #tpu.memory_space<hbm>> -> memref<1x80x128xf32, #tpu.memory_space<hbm>>
    %dma_start3A_564 = tpu.memref_squeeze %dma_start3A_563 : memref<1x80x128xf32, #tpu.memory_space<hbm>> -> memref<80x128xf32, #tpu.memory_space<hbm>>
    %dma_start3A_565 = arith.constant 0 : i32
    %dma_start3A_566 = arith.constant 0 : i32
    %dma_start3A_567 = tpu.memref_slice %arg6[%dma_start3A_551, %dma_start3A_565, %dma_start3A_566] : memref<2x125x128xf32, #tpu.memory_space<vmem>> -> memref<1x80x128xf32, #tpu.memory_space<vmem>>
    %dma_start3A_568 = tpu.memref_squeeze %dma_start3A_567 : memref<1x80x128xf32, #tpu.memory_space<vmem>> -> memref<80x128xf32, #tpu.memory_space<vmem>>
    tpu.enqueue_dma source(%dma_start3A_568 : memref<80x128xf32, #tpu.memory_space<vmem>>) target(%dma_start3A_564 : memref<80x128xf32, #tpu.memory_space<hbm>>) target_semaphore(%dma_start3A_561 : memref<!tpu.dma_semaphore, #tpu.memory_space<semaphore_mem>>)
    %mul3A_569 = arith.constant 640 : i32
    %mul3A_570 = arith.muli %arg1, %mul3A_569 : i32
    %add3A_571 = arith.constant 320 : i32
    %add3A_572 = arith.addi %mul3A_570, %add3A_571 : i32
    %dma_wait3A_573 = arith.constant 0 : i32
    %dma_wait3A_574 = arith.constant 0 : i32
    %dma_wait3A_575 = arith.constant 0 : i32
    %dma_wait3A_576 = arith.constant 0 : i32
    %dma_wait3A_577 = tpu.memref_slice %arg6[%dma_wait3A_573, %dma_wait3A_575, %dma_wait3A_576] : memref<2x125x128xf32, #tpu.memory_space<vmem>> -> memref<1x80x128xf32, #tpu.memory_space<vmem>>
    %dma_wait3A_578 = tpu.memref_squeeze %dma_wait3A_577 : memref<1x80x128xf32, #tpu.memory_space<vmem>> -> memref<80x128xf32, #tpu.memory_space<vmem>>
    %dma_wait3A_579 = arith.constant 0 : i32
    %dma_wait3A_580 = tpu.memref_slice %arg4[%arg0, %add3A_572, %dma_wait3A_579] : memref<2x10240x128xf32, #tpu.memory_space<hbm>> -> memref<1x80x128xf32, #tpu.memory_space<hbm>>
    %dma_wait3A_581 = tpu.memref_squeeze %dma_wait3A_580 : memref<1x80x128xf32, #tpu.memory_space<hbm>> -> memref<80x128xf32, #tpu.memory_space<hbm>>
    %dma_wait3A_582 = tpu.memref_slice %arg9[%dma_wait3A_574] : memref<2x!tpu.dma_semaphore, #tpu.memory_space<semaphore_mem>> -> memref<1x!tpu.dma_semaphore, #tpu.memory_space<semaphore_mem>>
    %dma_wait3A_583 = tpu.memref_squeeze %dma_wait3A_582 : memref<1x!tpu.dma_semaphore, #tpu.memory_space<semaphore_mem>> -> memref<!tpu.dma_semaphore, #tpu.memory_space<semaphore_mem>>
    %dma_wait3A_584 = arith.constant 0 : i32
    %dma_wait3A_585 = tpu.memref_slice %arg4[%arg0, %add3A_572, %dma_wait3A_584] : memref<2x10240x128xf32, #tpu.memory_space<hbm>> -> memref<1x80x128xf32, #tpu.memory_space<hbm>>
    %dma_wait3A_586 = tpu.memref_squeeze %dma_wait3A_585 : memref<1x80x128xf32, #tpu.memory_space<hbm>> -> memref<80x128xf32, #tpu.memory_space<hbm>>
    %dma_wait3A_587 = arith.constant 0 : i32
    %dma_wait3A_588 = arith.constant 0 : i32
    %dma_wait3A_589 = tpu.memref_slice %arg6[%dma_wait3A_573, %dma_wait3A_587, %dma_wait3A_588] : memref<2x125x128xf32, #tpu.memory_space<vmem>> -> memref<1x80x128xf32, #tpu.memory_space<vmem>>
    %dma_wait3A_590 = tpu.memref_squeeze %dma_wait3A_589 : memref<1x80x128xf32, #tpu.memory_space<vmem>> -> memref<80x128xf32, #tpu.memory_space<vmem>>
    tpu.wait_dma2 semaphore(%dma_wait3A_583 : memref<!tpu.dma_semaphore, #tpu.memory_space<semaphore_mem>>) src(%dma_wait3A_590 : memref<80x128xf32, #tpu.memory_space<vmem>>) dst(%dma_wait3A_586 : memref<80x128xf32, #tpu.memory_space<hbm>>)
    %mul3A_591 = arith.constant 640 : i32
    %mul3A_592 = arith.muli %arg1, %mul3A_591 : i32
    %add3A_593 = arith.constant 480 : i32
    %add3A_594 = arith.addi %mul3A_592, %add3A_593 : i32
    %dma_start3A_595 = arith.constant 0 : i32
    %dma_start3A_596 = arith.constant 0 : i32
    %dma_start3A_597 = arith.constant 0 : i32
    %dma_start3A_598 = arith.constant 0 : i32
    %dma_start3A_599 = tpu.memref_slice %arg6[%dma_start3A_595, %dma_start3A_597, %dma_start3A_598] : memref<2x125x128xf32, #tpu.memory_space<vmem>> -> memref<1x80x128xf32, #tpu.memory_space<vmem>>
    %dma_start3A_600 = tpu.memref_squeeze %dma_start3A_599 : memref<1x80x128xf32, #tpu.memory_space<vmem>> -> memref<80x128xf32, #tpu.memory_space<vmem>>
    %dma_start3A_601 = arith.constant 0 : i32
    %dma_start3A_602 = tpu.memref_slice %arg7[%add3A_594, %dma_start3A_601] : memref<10240x128xf32, #tpu.memory_space<vmem_shared>> -> memref<80x128xf32, #tpu.memory_space<vmem_shared>>
    %dma_start3A_603 = tpu.memref_slice %arg8[%dma_start3A_596] : memref<2x!tpu.dma_semaphore, #tpu.memory_space<semaphore_mem>> -> memref<1x!tpu.dma_semaphore, #tpu.memory_space<semaphore_mem>>
    %dma_start3A_604 = tpu.memref_squeeze %dma_start3A_603 : memref<1x!tpu.dma_semaphore, #tpu.memory_space<semaphore_mem>> -> memref<!tpu.dma_semaphore, #tpu.memory_space<semaphore_mem>>
    %dma_start3A_605 = arith.constant 0 : i32
    %dma_start3A_606 = arith.constant 0 : i32
    %dma_start3A_607 = tpu.memref_slice %arg6[%dma_start3A_595, %dma_start3A_605, %dma_start3A_606] : memref<2x125x128xf32, #tpu.memory_space<vmem>> -> memref<1x80x128xf32, #tpu.memory_space<vmem>>
    %dma_start3A_608 = tpu.memref_squeeze %dma_start3A_607 : memref<1x80x128xf32, #tpu.memory_space<vmem>> -> memref<80x128xf32, #tpu.memory_space<vmem>>
    %dma_start3A_609 = arith.constant 0 : i32
    %dma_start3A_610 = tpu.memref_slice %arg7[%add3A_594, %dma_start3A_609] : memref<10240x128xf32, #tpu.memory_space<vmem_shared>> -> memref<80x128xf32, #tpu.memory_space<vmem_shared>>
    tpu.enqueue_dma source(%dma_start3A_610 : memref<80x128xf32, #tpu.memory_space<vmem_shared>>) target(%dma_start3A_608 : memref<80x128xf32, #tpu.memory_space<vmem>>) target_semaphore(%dma_start3A_604 : memref<!tpu.dma_semaphore, #tpu.memory_space<semaphore_mem>>)
    %mul3A_611 = arith.constant 640 : i32
    %mul3A_612 = arith.muli %arg1, %mul3A_611 : i32
    %add3A_613 = arith.constant 480 : i32
    %add3A_614 = arith.addi %mul3A_612, %add3A_613 : i32
    %dma_wait3A_615 = arith.constant 0 : i32
    %dma_wait3A_616 = arith.constant 0 : i32
    %dma_wait3A_617 = arith.constant 0 : i32
    %dma_wait3A_618 = arith.constant 0 : i32
    %dma_wait3A_619 = tpu.memref_slice %arg6[%dma_wait3A_615, %dma_wait3A_617, %dma_wait3A_618] : memref<2x125x128xf32, #tpu.memory_space<vmem>> -> memref<1x80x128xf32, #tpu.memory_space<vmem>>
    %dma_wait3A_620 = tpu.memref_squeeze %dma_wait3A_619 : memref<1x80x128xf32, #tpu.memory_space<vmem>> -> memref<80x128xf32, #tpu.memory_space<vmem>>
    %dma_wait3A_621 = arith.constant 0 : i32
    %dma_wait3A_622 = tpu.memref_slice %arg7[%add3A_614, %dma_wait3A_621] : memref<10240x128xf32, #tpu.memory_space<vmem_shared>> -> memref<80x128xf32, #tpu.memory_space<vmem_shared>>
    %dma_wait3A_623 = tpu.memref_slice %arg8[%dma_wait3A_616] : memref<2x!tpu.dma_semaphore, #tpu.memory_space<semaphore_mem>> -> memref<1x!tpu.dma_semaphore, #tpu.memory_space<semaphore_mem>>
    %dma_wait3A_624 = tpu.memref_squeeze %dma_wait3A_623 : memref<1x!tpu.dma_semaphore, #tpu.memory_space<semaphore_mem>> -> memref<!tpu.dma_semaphore, #tpu.memory_space<semaphore_mem>>
    %dma_wait3A_625 = arith.constant 0 : i32
    %dma_wait3A_626 = arith.constant 0 : i32
    %dma_wait3A_627 = tpu.memref_slice %arg6[%dma_wait3A_615, %dma_wait3A_625, %dma_wait3A_626] : memref<2x125x128xf32, #tpu.memory_space<vmem>> -> memref<1x80x128xf32, #tpu.memory_space<vmem>>
    %dma_wait3A_628 = tpu.memref_squeeze %dma_wait3A_627 : memref<1x80x128xf32, #tpu.memory_space<vmem>> -> memref<80x128xf32, #tpu.memory_space<vmem>>
    %dma_wait3A_629 = arith.constant 0 : i32
    %dma_wait3A_630 = tpu.memref_slice %arg7[%add3A_614, %dma_wait3A_629] : memref<10240x128xf32, #tpu.memory_space<vmem_shared>> -> memref<80x128xf32, #tpu.memory_space<vmem_shared>>
    tpu.wait_dma2 semaphore(%dma_wait3A_624 : memref<!tpu.dma_semaphore, #tpu.memory_space<semaphore_mem>>) src(%dma_wait3A_630 : memref<80x128xf32, #tpu.memory_space<vmem_shared>>) dst(%dma_wait3A_628 : memref<80x128xf32, #tpu.memory_space<vmem>>)
    %mul3A_631 = arith.constant 640 : i32
    %mul3A_632 = arith.muli %arg1, %mul3A_631 : i32
    %add3A_633 = arith.constant 480 : i32
    %add3A_634 = arith.addi %mul3A_632, %add3A_633 : i32
    %dma_start3A_635 = arith.constant 0 : i32
    %dma_start3A_636 = arith.constant 0 : i32
    %dma_start3A_637 = arith.constant 0 : i32
    %dma_start3A_638 = arith.constant 0 : i32
    %dma_start3A_639 = tpu.memref_slice %arg6[%dma_start3A_635, %dma_start3A_637, %dma_start3A_638] : memref<2x125x128xf32, #tpu.memory_space<vmem>> -> memref<1x80x128xf32, #tpu.memory_space<vmem>>
    %dma_start3A_640 = tpu.memref_squeeze %dma_start3A_639 : memref<1x80x128xf32, #tpu.memory_space<vmem>> -> memref<80x128xf32, #tpu.memory_space<vmem>>
    %dma_start3A_641 = arith.constant 0 : i32
    %dma_start3A_642 = tpu.memref_slice %arg4[%arg0, %add3A_634, %dma_start3A_641] : memref<2x10240x128xf32, #tpu.memory_space<hbm>> -> memref<1x80x128xf32, #tpu.memory_space<hbm>>
    %dma_start3A_643 = tpu.memref_squeeze %dma_start3A_642 : memref<1x80x128xf32, #tpu.memory_space<hbm>> -> memref<80x128xf32, #tpu.memory_space<hbm>>
    %dma_start3A_644 = tpu.memref_slice %arg9[%dma_start3A_636] : memref<2x!tpu.dma_semaphore, #tpu.memory_space<semaphore_mem>> -> memref<1x!tpu.dma_semaphore, #tpu.memory_space<semaphore_mem>>
    %dma_start3A_645 = tpu.memref_squeeze %dma_start3A_644 : memref<1x!tpu.dma_semaphore, #tpu.memory_space<semaphore_mem>> -> memref<!tpu.dma_semaphore, #tpu.memory_space<semaphore_mem>>
    %dma_start3A_646 = arith.constant 0 : i32
    %dma_start3A_647 = tpu.memref_slice %arg4[%arg0, %add3A_634, %dma_start3A_646] : memref<2x10240x128xf32, #tpu.memory_space<hbm>> -> memref<1x80x128xf32, #tpu.memory_space<hbm>>
    %dma_start3A_648 = tpu.memref_squeeze %dma_start3A_647 : memref<1x80x128xf32, #tpu.memory_space<hbm>> -> memref<80x128xf32, #tpu.memory_space<hbm>>
    %dma_start3A_649 = arith.constant 0 : i32
    %dma_start3A_650 = arith.constant 0 : i32
    %dma_start3A_651 = tpu.memref_slice %arg6[%dma_start3A_635, %dma_start3A_649, %dma_start3A_650] : memref<2x125x128xf32, #tpu.memory_space<vmem>> -> memref<1x80x128xf32, #tpu.memory_space<vmem>>
    %dma_start3A_652 = tpu.memref_squeeze %dma_start3A_651 : memref<1x80x128xf32, #tpu.memory_space<vmem>> -> memref<80x128xf32, #tpu.memory_space<vmem>>
    tpu.enqueue_dma source(%dma_start3A_652 : memref<80x128xf32, #tpu.memory_space<vmem>>) target(%dma_start3A_648 : memref<80x128xf32, #tpu.memory_space<hbm>>) target_semaphore(%dma_start3A_645 : memref<!tpu.dma_semaphore, #tpu.memory_space<semaphore_mem>>)
    %mul3A_653 = arith.constant 640 : i32
    %mul3A_654 = arith.muli %arg1, %mul3A_653 : i32
    %add3A_655 = arith.constant 400 : i32
    %add3A_656 = arith.addi %mul3A_654, %add3A_655 : i32
    %dma_wait3A_657 = arith.constant 1 : i32
    %dma_wait3A_658 = arith.constant 1 : i32
    %dma_wait3A_659 = arith.constant 0 : i32
    %dma_wait3A_660 = arith.constant 0 : i32
    %dma_wait3A_661 = tpu.memref_slice %arg6[%dma_wait3A_657, %dma_wait3A_659, %dma_wait3A_660] : memref<2x125x128xf32, #tpu.memory_space<vmem>> -> memref<1x80x128xf32, #tpu.memory_space<vmem>>
    %dma_wait3A_662 = tpu.memref_squeeze %dma_wait3A_661 : memref<1x80x128xf32, #tpu.memory_space<vmem>> -> memref<80x128xf32, #tpu.memory_space<vmem>>
    %dma_wait3A_663 = arith.constant 0 : i32
    %dma_wait3A_664 = tpu.memref_slice %arg4[%arg0, %add3A_656, %dma_wait3A_663] : memref<2x10240x128xf32, #tpu.memory_space<hbm>> -> memref<1x80x128xf32, #tpu.memory_space<hbm>>
    %dma_wait3A_665 = tpu.memref_squeeze %dma_wait3A_664 : memref<1x80x128xf32, #tpu.memory_space<hbm>> -> memref<80x128xf32, #tpu.memory_space<hbm>>
    %dma_wait3A_666 = tpu.memref_slice %arg9[%dma_wait3A_658] : memref<2x!tpu.dma_semaphore, #tpu.memory_space<semaphore_mem>> -> memref<1x!tpu.dma_semaphore, #tpu.memory_space<semaphore_mem>>
    %dma_wait3A_667 = tpu.memref_squeeze %dma_wait3A_666 : memref<1x!tpu.dma_semaphore, #tpu.memory_space<semaphore_mem>> -> memref<!tpu.dma_semaphore, #tpu.memory_space<semaphore_mem>>
    %dma_wait3A_668 = arith.constant 0 : i32
    %dma_wait3A_669 = tpu.memref_slice %arg4[%arg0, %add3A_656, %dma_wait3A_668] : memref<2x10240x128xf32, #tpu.memory_space<hbm>> -> memref<1x80x128xf32, #tpu.memory_space<hbm>>
    %dma_wait3A_670 = tpu.memref_squeeze %dma_wait3A_669 : memref<1x80x128xf32, #tpu.memory_space<hbm>> -> memref<80x128xf32, #tpu.memory_space<hbm>>
    %dma_wait3A_671 = arith.constant 0 : i32
    %dma_wait3A_672 = arith.constant 0 : i32
    %dma_wait3A_673 = tpu.memref_slice %arg6[%dma_wait3A_657, %dma_wait3A_671, %dma_wait3A_672] : memref<2x125x128xf32, #tpu.memory_space<vmem>> -> memref<1x80x128xf32, #tpu.memory_space<vmem>>
    %dma_wait3A_674 = tpu.memref_squeeze %dma_wait3A_673 : memref<1x80x128xf32, #tpu.memory_space<vmem>> -> memref<80x128xf32, #tpu.memory_space<vmem>>
    tpu.wait_dma2 semaphore(%dma_wait3A_667 : memref<!tpu.dma_semaphore, #tpu.memory_space<semaphore_mem>>) src(%dma_wait3A_674 : memref<80x128xf32, #tpu.memory_space<vmem>>) dst(%dma_wait3A_670 : memref<80x128xf32, #tpu.memory_space<hbm>>)
    %mul3A_675 = arith.constant 640 : i32
    %mul3A_676 = arith.muli %arg1, %mul3A_675 : i32
    %add3A_677 = arith.constant 560 : i32
    %add3A_678 = arith.addi %mul3A_676, %add3A_677 : i32
    %dma_start3A_679 = arith.constant 1 : i32
    %dma_start3A_680 = arith.constant 1 : i32
    %dma_start3A_681 = arith.constant 0 : i32
    %dma_start3A_682 = arith.constant 0 : i32
    %dma_start3A_683 = tpu.memref_slice %arg6[%dma_start3A_679, %dma_start3A_681, %dma_start3A_682] : memref<2x125x128xf32, #tpu.memory_space<vmem>> -> memref<1x80x128xf32, #tpu.memory_space<vmem>>
    %dma_start3A_684 = tpu.memref_squeeze %dma_start3A_683 : memref<1x80x128xf32, #tpu.memory_space<vmem>> -> memref<80x128xf32, #tpu.memory_space<vmem>>
    %dma_start3A_685 = arith.constant 0 : i32
    %dma_start3A_686 = tpu.memref_slice %arg7[%add3A_678, %dma_start3A_685] : memref<10240x128xf32, #tpu.memory_space<vmem_shared>> -> memref<80x128xf32, #tpu.memory_space<vmem_shared>>
    %dma_start3A_687 = tpu.memref_slice %arg8[%dma_start3A_680] : memref<2x!tpu.dma_semaphore, #tpu.memory_space<semaphore_mem>> -> memref<1x!tpu.dma_semaphore, #tpu.memory_space<semaphore_mem>>
    %dma_start3A_688 = tpu.memref_squeeze %dma_start3A_687 : memref<1x!tpu.dma_semaphore, #tpu.memory_space<semaphore_mem>> -> memref<!tpu.dma_semaphore, #tpu.memory_space<semaphore_mem>>
    %dma_start3A_689 = arith.constant 0 : i32
    %dma_start3A_690 = arith.constant 0 : i32
    %dma_start3A_691 = tpu.memref_slice %arg6[%dma_start3A_679, %dma_start3A_689, %dma_start3A_690] : memref<2x125x128xf32, #tpu.memory_space<vmem>> -> memref<1x80x128xf32, #tpu.memory_space<vmem>>
    %dma_start3A_692 = tpu.memref_squeeze %dma_start3A_691 : memref<1x80x128xf32, #tpu.memory_space<vmem>> -> memref<80x128xf32, #tpu.memory_space<vmem>>
    %dma_start3A_693 = arith.constant 0 : i32
    %dma_start3A_694 = tpu.memref_slice %arg7[%add3A_678, %dma_start3A_693] : memref<10240x128xf32, #tpu.memory_space<vmem_shared>> -> memref<80x128xf32, #tpu.memory_space<vmem_shared>>
    tpu.enqueue_dma source(%dma_start3A_694 : memref<80x128xf32, #tpu.memory_space<vmem_shared>>) target(%dma_start3A_692 : memref<80x128xf32, #tpu.memory_space<vmem>>) target_semaphore(%dma_start3A_688 : memref<!tpu.dma_semaphore, #tpu.memory_space<semaphore_mem>>)
    %mul3A_695 = arith.constant 640 : i32
    %mul3A_696 = arith.muli %arg1, %mul3A_695 : i32
    %add3A_697 = arith.constant 560 : i32
    %add3A_698 = arith.addi %mul3A_696, %add3A_697 : i32
    %dma_wait3A_699 = arith.constant 1 : i32
    %dma_wait3A_700 = arith.constant 1 : i32
    %dma_wait3A_701 = arith.constant 0 : i32
    %dma_wait3A_702 = arith.constant 0 : i32
    %dma_wait3A_703 = tpu.memref_slice %arg6[%dma_wait3A_699, %dma_wait3A_701, %dma_wait3A_702] : memref<2x125x128xf32, #tpu.memory_space<vmem>> -> memref<1x80x128xf32, #tpu.memory_space<vmem>>
    %dma_wait3A_704 = tpu.memref_squeeze %dma_wait3A_703 : memref<1x80x128xf32, #tpu.memory_space<vmem>> -> memref<80x128xf32, #tpu.memory_space<vmem>>
    %dma_wait3A_705 = arith.constant 0 : i32
    %dma_wait3A_706 = tpu.memref_slice %arg7[%add3A_698, %dma_wait3A_705] : memref<10240x128xf32, #tpu.memory_space<vmem_shared>> -> memref<80x128xf32, #tpu.memory_space<vmem_shared>>
    %dma_wait3A_707 = tpu.memref_slice %arg8[%dma_wait3A_700] : memref<2x!tpu.dma_semaphore, #tpu.memory_space<semaphore_mem>> -> memref<1x!tpu.dma_semaphore, #tpu.memory_space<semaphore_mem>>
    %dma_wait3A_708 = tpu.memref_squeeze %dma_wait3A_707 : memref<1x!tpu.dma_semaphore, #tpu.memory_space<semaphore_mem>> -> memref<!tpu.dma_semaphore, #tpu.memory_space<semaphore_mem>>
    %dma_wait3A_709 = arith.constant 0 : i32
    %dma_wait3A_710 = arith.constant 0 : i32
    %dma_wait3A_711 = tpu.memref_slice %arg6[%dma_wait3A_699, %dma_wait3A_709, %dma_wait3A_710] : memref<2x125x128xf32, #tpu.memory_space<vmem>> -> memref<1x80x128xf32, #tpu.memory_space<vmem>>
    %dma_wait3A_712 = tpu.memref_squeeze %dma_wait3A_711 : memref<1x80x128xf32, #tpu.memory_space<vmem>> -> memref<80x128xf32, #tpu.memory_space<vmem>>
    %dma_wait3A_713 = arith.constant 0 : i32
    %dma_wait3A_714 = tpu.memref_slice %arg7[%add3A_698, %dma_wait3A_713] : memref<10240x128xf32, #tpu.memory_space<vmem_shared>> -> memref<80x128xf32, #tpu.memory_space<vmem_shared>>
    tpu.wait_dma2 semaphore(%dma_wait3A_708 : memref<!tpu.dma_semaphore, #tpu.memory_space<semaphore_mem>>) src(%dma_wait3A_714 : memref<80x128xf32, #tpu.memory_space<vmem_shared>>) dst(%dma_wait3A_712 : memref<80x128xf32, #tpu.memory_space<vmem>>)
    %mul3A_715 = arith.constant 640 : i32
    %mul3A_716 = arith.muli %arg1, %mul3A_715 : i32
    %add3A_717 = arith.constant 560 : i32
    %add3A_718 = arith.addi %mul3A_716, %add3A_717 : i32
    %dma_start3A_719 = arith.constant 1 : i32
    %dma_start3A_720 = arith.constant 1 : i32
    %dma_start3A_721 = arith.constant 0 : i32
    %dma_start3A_722 = arith.constant 0 : i32
    %dma_start3A_723 = tpu.memref_slice %arg6[%dma_start3A_719, %dma_start3A_721, %dma_start3A_722] : memref<2x125x128xf32, #tpu.memory_space<vmem>> -> memref<1x80x128xf32, #tpu.memory_space<vmem>>
    %dma_start3A_724 = tpu.memref_squeeze %dma_start3A_723 : memref<1x80x128xf32, #tpu.memory_space<vmem>> -> memref<80x128xf32, #tpu.memory_space<vmem>>
    %dma_start3A_725 = arith.constant 0 : i32
    %dma_start3A_726 = tpu.memref_slice %arg4[%arg0, %add3A_718, %dma_start3A_725] : memref<2x10240x128xf32, #tpu.memory_space<hbm>> -> memref<1x80x128xf32, #tpu.memory_space<hbm>>
    %dma_start3A_727 = tpu.memref_squeeze %dma_start3A_726 : memref<1x80x128xf32, #tpu.memory_space<hbm>> -> memref<80x128xf32, #tpu.memory_space<hbm>>
    %dma_start3A_728 = tpu.memref_slice %arg9[%dma_start3A_720] : memref<2x!tpu.dma_semaphore, #tpu.memory_space<semaphore_mem>> -> memref<1x!tpu.dma_semaphore, #tpu.memory_space<semaphore_mem>>
    %dma_start3A_729 = tpu.memref_squeeze %dma_start3A_728 : memref<1x!tpu.dma_semaphore, #tpu.memory_space<semaphore_mem>> -> memref<!tpu.dma_semaphore, #tpu.memory_space<semaphore_mem>>
    %dma_start3A_730 = arith.constant 0 : i32
    %dma_start3A_731 = tpu.memref_slice %arg4[%arg0, %add3A_718, %dma_start3A_730] : memref<2x10240x128xf32, #tpu.memory_space<hbm>> -> memref<1x80x128xf32, #tpu.memory_space<hbm>>
    %dma_start3A_732 = tpu.memref_squeeze %dma_start3A_731 : memref<1x80x128xf32, #tpu.memory_space<hbm>> -> memref<80x128xf32, #tpu.memory_space<hbm>>
    %dma_start3A_733 = arith.constant 0 : i32
    %dma_start3A_734 = arith.constant 0 : i32
    %dma_start3A_735 = tpu.memref_slice %arg6[%dma_start3A_719, %dma_start3A_733, %dma_start3A_734] : memref<2x125x128xf32, #tpu.memory_space<vmem>> -> memref<1x80x128xf32, #tpu.memory_space<vmem>>
    %dma_start3A_736 = tpu.memref_squeeze %dma_start3A_735 : memref<1x80x128xf32, #tpu.memory_space<vmem>> -> memref<80x128xf32, #tpu.memory_space<vmem>>
    tpu.enqueue_dma source(%dma_start3A_736 : memref<80x128xf32, #tpu.memory_space<vmem>>) target(%dma_start3A_732 : memref<80x128xf32, #tpu.memory_space<hbm>>) target_semaphore(%dma_start3A_729 : memref<!tpu.dma_semaphore, #tpu.memory_space<semaphore_mem>>)
    %mul3A_737 = arith.constant 640 : i32
    %mul3A_738 = arith.muli %arg1, %mul3A_737 : i32
    %add3A_739 = arith.constant 480 : i32
    %add3A_740 = arith.addi %mul3A_738, %add3A_739 : i32
    %dma_wait3A_741 = arith.constant 0 : i32
    %dma_wait3A_742 = arith.constant 0 : i32
    %dma_wait3A_743 = arith.constant 0 : i32
    %dma_wait3A_744 = arith.constant 0 : i32
    %dma_wait3A_745 = tpu.memref_slice %arg6[%dma_wait3A_741, %dma_wait3A_743, %dma_wait3A_744] : memref<2x125x128xf32, #tpu.memory_space<vmem>> -> memref<1x80x128xf32, #tpu.memory_space<vmem>>
    %dma_wait3A_746 = tpu.memref_squeeze %dma_wait3A_745 : memref<1x80x128xf32, #tpu.memory_space<vmem>> -> memref<80x128xf32, #tpu.memory_space<vmem>>
    %dma_wait3A_747 = arith.constant 0 : i32
    %dma_wait3A_748 = tpu.memref_slice %arg4[%arg0, %add3A_740, %dma_wait3A_747] : memref<2x10240x128xf32, #tpu.memory_space<hbm>> -> memref<1x80x128xf32, #tpu.memory_space<hbm>>
    %dma_wait3A_749 = tpu.memref_squeeze %dma_wait3A_748 : memref<1x80x128xf32, #tpu.memory_space<hbm>> -> memref<80x128xf32, #tpu.memory_space<hbm>>
    %dma_wait3A_750 = tpu.memref_slice %arg9[%dma_wait3A_742] : memref<2x!tpu.dma_semaphore, #tpu.memory_space<semaphore_mem>> -> memref<1x!tpu.dma_semaphore, #tpu.memory_space<semaphore_mem>>
    %dma_wait3A_751 = tpu.memref_squeeze %dma_wait3A_750 : memref<1x!tpu.dma_semaphore, #tpu.memory_space<semaphore_mem>> -> memref<!tpu.dma_semaphore, #tpu.memory_space<semaphore_mem>>
    %dma_wait3A_752 = arith.constant 0 : i32
    %dma_wait3A_753 = tpu.memref_slice %arg4[%arg0, %add3A_740, %dma_wait3A_752] : memref<2x10240x128xf32, #tpu.memory_space<hbm>> -> memref<1x80x128xf32, #tpu.memory_space<hbm>>
    %dma_wait3A_754 = tpu.memref_squeeze %dma_wait3A_753 : memref<1x80x128xf32, #tpu.memory_space<hbm>> -> memref<80x128xf32, #tpu.memory_space<hbm>>
    %dma_wait3A_755 = arith.constant 0 : i32
    %dma_wait3A_756 = arith.constant 0 : i32
    %dma_wait3A_757 = tpu.memref_slice %arg6[%dma_wait3A_741, %dma_wait3A_755, %dma_wait3A_756] : memref<2x125x128xf32, #tpu.memory_space<vmem>> -> memref<1x80x128xf32, #tpu.memory_space<vmem>>
    %dma_wait3A_758 = tpu.memref_squeeze %dma_wait3A_757 : memref<1x80x128xf32, #tpu.memory_space<vmem>> -> memref<80x128xf32, #tpu.memory_space<vmem>>
    tpu.wait_dma2 semaphore(%dma_wait3A_751 : memref<!tpu.dma_semaphore, #tpu.memory_space<semaphore_mem>>) src(%dma_wait3A_758 : memref<80x128xf32, #tpu.memory_space<vmem>>) dst(%dma_wait3A_754 : memref<80x128xf32, #tpu.memory_space<hbm>>)
    %mul3A_759 = arith.constant 640 : i32
    %mul3A_760 = arith.muli %arg1, %mul3A_759 : i32
    %add3A_761 = arith.constant 560 : i32
    %add3A_762 = arith.addi %mul3A_760, %add3A_761 : i32
    %dma_wait3A_763 = arith.constant 1 : i32
    %dma_wait3A_764 = arith.constant 1 : i32
    %dma_wait3A_765 = arith.constant 0 : i32
    %dma_wait3A_766 = arith.constant 0 : i32
    %dma_wait3A_767 = tpu.memref_slice %arg6[%dma_wait3A_763, %dma_wait3A_765, %dma_wait3A_766] : memref<2x125x128xf32, #tpu.memory_space<vmem>> -> memref<1x80x128xf32, #tpu.memory_space<vmem>>
    %dma_wait3A_768 = tpu.memref_squeeze %dma_wait3A_767 : memref<1x80x128xf32, #tpu.memory_space<vmem>> -> memref<80x128xf32, #tpu.memory_space<vmem>>
    %dma_wait3A_769 = arith.constant 0 : i32
    %dma_wait3A_770 = tpu.memref_slice %arg4[%arg0, %add3A_762, %dma_wait3A_769] : memref<2x10240x128xf32, #tpu.memory_space<hbm>> -> memref<1x80x128xf32, #tpu.memory_space<hbm>>
    %dma_wait3A_771 = tpu.memref_squeeze %dma_wait3A_770 : memref<1x80x128xf32, #tpu.memory_space<hbm>> -> memref<80x128xf32, #tpu.memory_space<hbm>>
    %dma_wait3A_772 = tpu.memref_slice %arg9[%dma_wait3A_764] : memref<2x!tpu.dma_semaphore, #tpu.memory_space<semaphore_mem>> -> memref<1x!tpu.dma_semaphore, #tpu.memory_space<semaphore_mem>>
    %dma_wait3A_773 = tpu.memref_squeeze %dma_wait3A_772 : memref<1x!tpu.dma_semaphore, #tpu.memory_space<semaphore_mem>> -> memref<!tpu.dma_semaphore, #tpu.memory_space<semaphore_mem>>
    %dma_wait3A_774 = arith.constant 0 : i32
    %dma_wait3A_775 = tpu.memref_slice %arg4[%arg0, %add3A_762, %dma_wait3A_774] : memref<2x10240x128xf32, #tpu.memory_space<hbm>> -> memref<1x80x128xf32, #tpu.memory_space<hbm>>
    %dma_wait3A_776 = tpu.memref_squeeze %dma_wait3A_775 : memref<1x80x128xf32, #tpu.memory_space<hbm>> -> memref<80x128xf32, #tpu.memory_space<hbm>>
    %dma_wait3A_777 = arith.constant 0 : i32
    %dma_wait3A_778 = arith.constant 0 : i32
    %dma_wait3A_779 = tpu.memref_slice %arg6[%dma_wait3A_763, %dma_wait3A_777, %dma_wait3A_778] : memref<2x125x128xf32, #tpu.memory_space<vmem>> -> memref<1x80x128xf32, #tpu.memory_space<vmem>>
    %dma_wait3A_780 = tpu.memref_squeeze %dma_wait3A_779 : memref<1x80x128xf32, #tpu.memory_space<vmem>> -> memref<80x128xf32, #tpu.memory_space<vmem>>
    tpu.wait_dma2 semaphore(%dma_wait3A_773 : memref<!tpu.dma_semaphore, #tpu.memory_space<semaphore_mem>>) src(%dma_wait3A_780 : memref<80x128xf32, #tpu.memory_space<vmem>>) dst(%dma_wait3A_776 : memref<80x128xf32, #tpu.memory_space<hbm>>)
    return
  }
}

</mosaic_0001>

<sc_bundles>
// kernel: _sc_spmm.3.cloned.1.call-start
scs
__scs_entry_jumppad:
0x0: {  	(pc) =	sbr.rel $0x88, $3  }
0x1: {  	(tag) =	ssettag $0x0;
	lr =	simm.s32 $0x1  }
0x2: {  	[smem:$0x3F9F] =	sst lr;
	_ =	strace $0xD0000000  }
0x3: {  	_ = 	snop  }
0x4: {  	_ = 	snop  }
0x5: {  	_ = 	snop  }
0x6: {  	_ = 	snop  }
0x7: {  	_ = 	snop  }
__scs_overlays_trampoline_lowered:
0x8: {  	[smem:$0x3FAE] =	sst s0  }
0x9: {  	[smem:$0x3FAF] =	sst s1  }
0xa: {  	[smem:$0x3FB0] =	sst s2  }
0xb: {  	[smem:$0x3FB1] =	sst s3  }
0xc: {  	[smem:$0x3FB2] =	sst s4  }
0xd: {  	[smem:$0x3FB3] =	sst s5  }
0xe: {  	[smem:$0x3FB4] =	sst s6  }
0xf: {  	[smem:$0x3FB5] =	sst s7  }
0x10: {  	[smem:$0x3FB6] =	sst s8  }
0x11: {  	[smem:$0x3FB7] =	sst s9;
	s0 =	simm.s32 @!p0 $0x0  }
0x12: {  	s1 =	sld [smem:$0x3F9D];
	s0 =	simm.s32 @p0 $0x1  }
0x13: {  	[smem:$0x3FB8] =	sst s0;
	s0 =	simm.s32 @!p1 $0x0  }
0x14: {  	s2 =	sld [smem:$0x3F9C];
	s0 =	simm.s32 @p1 $0x1  }
0x15: {  	[smem:$0x3FB9] =	sst s0;
	s0 =	simm.s32 @!p2 $0x0  }
0x16: {  	s3 =	sld [smem:$0x3FDB];
	s0 =	simm.s32 @p2 $0x1  }
0x17: {  	s4 =	simm.s32 $0x1BF5;
	[smem:$0x3FBB] =	sst s0  }
0x18: {  	s0 =	sld [smem:$0x3F9E];
	_ =	swait.ge [sflag:s4], $0x0  }
0x19: {  	s7 =	sld [smem:$0x3F9F]  }
0x1a: {  	s8 =	sadd.s32 $0xFFFFE003, lr  }
0x1b: {  	s9 =	sadd.s32 $0xFFFFFEF7, lr;
	s5 =	simm.s32 $0xFFFFFFFF;
	p2 =	slt.u32 s8, $0xFFFFF086  }
0x1c: {  	p1 =	slt.u32 s9, $0xF7A;
	s5 =	simm.s32 @!p2 $0x0  }
0x1d: {  	s5 =	simm.s32 @p1 $0x1;
	p0 =	seq.s32 s7, s2  }
0x1e: {  	s7 =	smul.u32 @!p0 $0xF7A, s2;
	p2 =	seq.s32 @!p0 s5, $0x0  }
0x1f: {  	s9 =	smul.u32 $0xF7A, s1;
	s8 =	simm.s32 @!p0 $0x1BF5;
	p2 =	por !p2, p0  }
0x20: {  	[sflag:s8] =	ssyncset.s32 @!p0 $0xFFFFF086;
	s6 =	sadd.s32 @!p0 s3, s7;
	s7 =	simm.s32 @!p0 $0x108  }
0x21: {  	s3 =	sadd.s32 s3, s9;
	s6 =	sadd.s32 @!p0 $0x88, s6;
	s7 =	simm.s32 @p2 $0x1082  }
0x22: {  	[simem:s7], [sflag:s8] =	dma.local @!p0 [hbm:s6], $0xF7A  }
0x23: {  	s9 =	sor.u32 $0xD0000000, s2;
	s6 =	simm.s32 $0x108;
	_ =	swait.ge @!p0 [sflag:s8], $0x0  }
0x24: {  	s3 =	sadd.s32 $0x88, s3;
	s6 =	simm.s32 @!p1 $0x1082;
	[sflag:s4] =	ssyncset.s32 $0xFFFFF086  }
0x25: {  	[simem:s6], [sflag:s4] =	dma.local [hbm:s3], $0xF7A  }
0x26: {  	[smem:$0x3F9F] =	sst s1;
	(tag) =	ssettag s2;
	_ =	strace s9  }
0x27: {  	s1 =	sld [smem:$0x3FAF]  }
0x28: {  	s2 =	sld [smem:$0x3FB0]  }
0x29: {  	s4 =	sld [smem:$0x3FB2]  }
0x2a: {  	p0 =	seq.s32 s5, $0x0;
	s5 =	sld [smem:$0x3FB3]  }
0x2b: {  	s6 =	sld [smem:$0x3FB4]  }
0x2c: {  	s7 =	sld [smem:$0x3FB5]  }
0x2d: {  	s3 =	simm.s32 $0x108;
	s8 =	sld [smem:$0x3FB6]  }
0x2e: {  	s3 =	simm.s32 @!p0 $0x1082;
	s9 =	sld [smem:$0x3FB7]  }
0x2f: {  	lr =	sadd.s32 s0, s3;
	s0 =	sld [smem:$0x3FAE]  }
0x30: {  	s3 =	sld [smem:$0x3FB1]  }
0x31: {  	[smem:$0x3FBA] =	sst s10  }
0x32: {  	s10 =	sld [smem:$0x3FB8];
	_ =	sdelay $0x3  }
0x33: {  	p0 =	seq.s32 s10, $0x1;
	s10 =	sld [smem:$0x3FBA];
	_ =	sdelay $0x3  }
0x34: {  	[smem:$0x3FBA] =	sst s10  }
0x35: {  	s10 =	sld [smem:$0x3FB9];
	_ =	sdelay $0x3  }
0x36: {  	p1 =	seq.s32 s10, $0x1;
	s10 =	sld [smem:$0x3FBA];
	_ =	sdelay $0x3  }
0x37: {  	[smem:$0x3FBA] =	sst s10  }
0x38: {  	s10 =	sld [smem:$0x3FBB]  }
0x39: {  	_ = 	snop;
	(pc) =	sbr.ind lr, $3  }
0x3a: {  	_ = 	snop  }
0x3b: {  	_ = 	snop  }
0x3c: {  	p2 =	seq.s32 s10, $0x1;
	s10 =	sld [smem:$0x3FBA]  }
0x3d: {  	_ =	shalt  }
0x3e: {  	_ =	shalt  }
0x3f: {  	_ =	shalt  }
0x40: {  	_ =	shalt  }
0x41: {  	_ =	shalt  }
0x42: {  	_ =	shalt  }
0x43: {  	_ =	shalt  }
0x44: {  	_ =	shalt  }
0x45: {  	_ =	shalt  }
0x46: {  	_ =	shalt  }
0x47: {  	_ =	shalt  }
0x48: {  	_ =	shalt  }
0x49: {  	_ =	shalt  }
0x4a: {  	_ =	shalt  }
0x4b: {  	_ =	shalt  }
0x4c: {  	_ =	shalt  }
0x4d: {  	_ =	shalt  }
0x4e: {  	_ =	shalt  }
0x4f: {  	_ =	shalt  }
0x50: {  	_ =	shalt  }
0x51: {  	_ =	shalt  }
0x52: {  	_ =	shalt  }
0x53: {  	_ =	shalt  }
0x54: {  	_ =	shalt  }
0x55: {  	_ =	shalt  }
0x56: {  	_ =	shalt  }
0x57: {  	_ =	shalt  }
0x58: {  	_ =	shalt  }
0x59: {  	_ =	shalt  }
0x5a: {  	_ =	shalt  }
0x5b: {  	_ =	shalt  }
0x5c: {  	_ =	shalt  }
0x5d: {  	_ =	shalt  }
0x5e: {  	_ =	shalt  }
0x5f: {  	_ =	shalt  }
0x60: {  	_ =	shalt  }
0x61: {  	_ =	shalt  }
0x62: {  	_ =	shalt  }
0x63: {  	_ =	shalt  }
0x64: {  	_ =	shalt  }
0x65: {  	_ =	shalt  }
0x66: {  	_ =	shalt  }
0x67: {  	_ =	shalt  }
0x68: {  	_ =	shalt  }
0x69: {  	_ =	shalt  }
0x6a: {  	_ =	shalt  }
0x6b: {  	_ =	shalt  }
0x6c: {  	_ =	shalt  }
0x6d: {  	_ =	shalt  }
0x6e: {  	_ =	shalt  }
0x6f: {  	_ =	shalt  }
0x70: {  	_ =	shalt  }
0x71: {  	_ =	shalt  }
0x72: {  	_ =	shalt  }
0x73: {  	_ =	shalt  }
0x74: {  	_ =	shalt  }
0x75: {  	_ =	shalt  }
0x76: {  	_ =	shalt  }
0x77: {  	_ =	shalt  }
0x78: {  	_ =	shalt  }
0x79: {  	_ =	shalt  }
0x7a: {  	_ =	shalt  }
0x7b: {  	_ =	shalt  }
0x7c: {  	_ =	shalt  }
0x7d: {  	_ =	shalt  }
0x7e: {  	_ =	shalt  }
0x7f: {  	_ =	shalt  }
0x80: {  	_ =	shalt  }
0x81: {  	_ =	shalt  }
0x82: {  	_ =	shalt  }
0x83: {  	_ =	shalt  }
0x84: {  	_ =	shalt  }
0x85: {  	_ =	shalt  }
0x86: {  	_ =	shalt  }
0x87: {  	_ =	shalt  }
.Lfunc_end0:
.L_simem_size_0:
called_computation_lowered:
.L_overlay_start_0:
0x88: {  	s2 =	sld [smem:$0x3FD9]  }
0x89: {  	s3 =	sld [smem:$0x3FFE];
	_ =	sdelay $0x1  }
0x8a: {  	s1 =	srdreg.scid  }
0x8b: {  	s0 =	sand.u32 $0x1, s1  }
0x8c: {  	s18 =	sshll.u32 s0, $0xA;
	s2 =	sadd.s32 s3, s2  }
0x8d: {  	s2 =	sadd.s32 s2, s18  }
0x8e: {  	[smem:$0x3FC6] =	sst s2  }
0x8f: {  	_ = 	snop  }
0x90: {  	s2 =	sld [smem:$0x3FC9]  }
0x91: {  	s19 =	sld [smem:$0x3FC8]  }
0x92: {  	s4 =	sld [smem:$0x3FD0];
	(tm) =	ssettm $0x1  }
0x93: {  	s5 =	sld [smem:$0x3FFB];
	_ =	sdelay $0x3  }
0x94: {  	_ =	strace s5  }
0x95: {  	s5 =	sld [smem:$0x3FFC];
	_ =	sdelay $0x3  }
0x96: {  	_ =	strace s5  }
0x97: {  	s5 =	sld [smem:$0x3FFD];
	_ =	sdelay $0x3  }
0x98: {  	_ =	strace s5  }
0x99: {  	_ =	strace $0x8FFFFFFF  }
0x9a: {  	s20 =	sld [smem:$0x3FDB];
	_ =	sdelay $0x1  }
0x9b: {  	s6 =	simm.s32 $_scs_section_size  }
0x9c: {  	s7 =	simm.s32 $_size__tile_overlayer_lowered;
	s8 =	simm.s32 $_tile_overlayer_lowered  }
0x9d: {  	s23 =	simm.s32 $0x1BFF;
	s22 =	sshll.u32 s8, $0x1;
	s5 =	sadd.s32 s6, s20  }
0x9e: {  	s9 =	simm.s32 $0x0;
	s21 =	sshll.u32 s7, $0x1;
	s7 =	sadd.s32 s22, s5  }
0x9f: {  	[timem:s9], [sflag:s23] =	dma.local [hbm:s7], s21  }
0xa0: {  	_ =	swait.ge [sflag:s23], s21  }
0xa1: {  	s6 =	ssub.s32 $0x0, s21;
	[sflag:s23] =	ssyncset.done $0x0  }
0xa2: {  	[sflag:s23] =	ssyncadd.s32 s6;
	_ =	sdelay $0x1  }
0xa3: {  	s24 =	simm.s32 $0x1B8B  }
0xa4: {  	_ =	swait.ge [sflag:s24], $0x1  }
0xa5: {  	[sflag:s24] =	ssyncset.done $0x0  }
0xa6: {  	s25 =	simm.s32 $0x1B8E;
	[sflag:s24] =	ssyncadd.s32 $0xFFFFFFFF  }
0xa7: {  	s26 =	simm.s32 $execute0_lowered;
	[smem:$0x3FD2] =	sst s25  }
0xa8: {  	s6 =	sshll.u32 s26, $0x1;
	_ =	strace $0x80000046;
	[dreg:$0x1] =	wrdreg $0xFFFFFFFF  }
0xa9: {  	s28 =	simm.s32 $_size_execute0_lowered;
	s5 =	sadd.s32 s5, s6;
	[dreg:$0x0] =	wrdreg $0x0  }
0xaa: {  	s6 =	sshll.u32 s28, $0x1;
	[dreg:$0x2] =	wrdreg s5  }
0xab: {  	[dreg:$0x3] =	wrdreg s6  }
0xac: {  	[dreg:$0x4] =	wrdreg $0xC0  }
0xad: {  	_ =	task [dreg:s9], $0x5FFFF  }
0xae: {  	[dreg:$0x1] =	wrdreg $0xFFFFFFFF  }
0xaf: {  	[dreg:$0x0] =	wrdreg $0x60  }
0xb0: {  	[dreg:$0x2] =	wrdreg s2  }
0xb1: {  	[dreg:$0x3] =	wrdreg s19  }
0xb2: {  	[dreg:$0x4] =	wrdreg s4  }
0xb3: {  	[dreg:$0x5] =	wrdreg $0x84000  }
0xb4: {  	[dreg:$0x6] =	wrdreg $0x9  }
0xb5: {  	_ =	task.clear_ibuf [dreg:s9], $0x7FFFF;
	_ =	strace $0x90000046  }
0xb6: {  	s29 =	simm.s32 $0x9;
	_ =	strace $0x80000048  }
0xb7: {  	_ =	swait.ge [sflag:s29], $0x1  }
0xb8: {  	[sflag:s29] =	ssyncadd.s32 $0xFFFFFFFF  }
0xb9: {  	_ =	strace $0x90000048  }
0xba: {  	_ =	sfence  }
0xbb: {  	s30 =	sld [smem:$0x0];
	_ =	sdelay $0x2  }
0xbc: {  	s31 =	sshll.u32 s1, $0xD;
	s1 =	sshrl.u32 s1, $0x2  }
0xbd: {  	s3 =	sand.u32 $0x4000, s31;
	s1 =	sadd.s32 s1, s30  }
0xbe: {  	s0 =	sor.u32 s3, s0;
	s1 =	sshll.u32 s1, $0x11  }
0xbf: {  	s0 =	sor.u32 s1, s0  }
0xc0: {  	s0 =	sadd.s32 $0x8F2B, s0  }
0xc1: {  	[sflag:s0] =	ssyncadd.remote.s32 $0x1  }
0xc2: {  	_ =	sfence.sel $0xFFFF  }
0xc3: {  	[dreg:$0x0] =	wrdreg $0xFFFFFFFF;
	(pc) =	sbr.abs _section_cstart, $3  }
0xc4: {  	[dreg:$0x1] =	wrdreg $0xFFFFFFFF  }
0xc5: {  	_ =	task.clear_ibuf [dreg:s9], $0x2FFFF;
	_ =	strace $0x9FFFFFFF  }
0xc6: {  	(tm) =	ssettm $0x7FFFFFFF  }
0xc7: {  	_ =	shalt  }
tec
execute0_lowered:
.L_overlay_start_1:
0x0: {  	(tag) =	ssettag $0x1  }
0x1: {  	s1 =	rddreg [dreg:$0x0]  }
0x2: {  	s0 =	srdreg.scid;
	s4 =	rddreg [dreg:$0x1]  }
0x3: {  	s15 =	stileid.u32;
	s5 =	rddreg [dreg:$0x2]  }
0x4: {  	s2 =	simm.s32 $0x0;
	s30 =	simm.s32 $0x100;
	s31 =	simm.s32 $0x400  }
0x5: {  	s28 =	simm.s32 $0x4;
	s29 =	simm.s32 $0x280;
	s8 =	smul.u32 $0x14000, s15  }
0x6: {  	s3 =	sand.u32 $0x1, s0;
	s22 =	sshll.u32 s15, $0x1;
	s9 =	smul.u32 $0x50000, s15  }
0x7: {  	[smem:$0x7FF] =	sst s2;
	s21 =	smul.u32 $0xA000, s15;
	s0 =	sor.u32 s3, s22  }
0x8: {  	s15 =	rddreg [dreg:$0x3];
	s6 =	ssub.s32 $0x2, s3;
	s7 =	smul.u32 $0x5000, s0  }
0x9: {  	s23 =	sshrl.u32 s6, $0x1;
	s10 =	sor.u32 $0x2800, s8;
	s9 =	sshrl.u32 s9, $0x2  }
0xa: {  	s14 =	sadd.s32 $0x7800, s8;
	s18 =	sadd.s32 $0xA000, s8;
	s19 =	sadd.s32 $0xF000, s8  }
0xb: {  	s0 =	ssub.s32 s6, s23;
	s6 =	smul.u32 $0x140000, s3;
	s7 =	sshrl.u32 s7, $0x3  }
0xc: {  	s3 =	smul.u32 $0x5000, s3;
	s0 =	smax.u32 s0, $0x1;
	s20 =	sadd.s32 s4, s7  }
0xd: {  	s24 =	sadd.s32 s8, s6;
	s11 =	sadd.s32 s6, s10;
	s12 =	sadd.s32 s6, s14  }
0xe: {  	s13 =	sadd.s32 s6, s18;
	s22 =	sadd.s32 s6, s19;
	s7 =	sshrl.u32 s24, $0x3  }
0xf: {  	s3 =	sadd.s32 s3, s21;
	s14 =	sadd.s32 s14, s15;
	s7 =	sadd.s32 s5, s7  }
0x10: {  	s18 =	sadd.s32 s18, s15;
	[dreg:$0x6] =	wrdreg s7;
	s7 =	sadd.s32 $0x5000, s8  }
0x11: {  	s11 =	sshrl.u32 s11, $0x3;
	s12 =	sshrl.u32 s12, $0x3;
	s26 =	sadd.s32 s6, s7  }
0x12: {  	s13 =	sshrl.u32 s13, $0x3;
	s25 =	sadd.s32 s5, s11;
	s11 =	sshrl.u32 s26, $0x3  }
0x13: {  	s23 =	sshrl.u32 s22, $0x3;
	s24 =	sor.u32 $0x500, s3;
	s11 =	sadd.s32 s5, s11  }
0x14: {  	s22 =	sadd.s32 s19, s15;
	[dreg:$0x8] =	wrdreg s11;
	s11 =	sadd.s32 s5, s12  }
0x15: {  	s19 =	simm.s32 $0x300;
	[dreg:$0x9] =	wrdreg s11;
	s11 =	sadd.s32 $0xC800, s8  }
0x16: {  	s16 =	sadd.s32 s5, s13;
	s13 =	sor.u32 $0x400, s3;
	s17 =	sadd.s32 s6, s11  }
0x17: {  	[dreg:$0x7] =	wrdreg s25;
	s8 =	sadd.s32 $0x11800, s8;
	s12 =	sshrl.u32 s17, $0x3  }
0x18: {  	[dreg:$0xa] =	wrdreg s16;
	s6 =	sadd.s32 s6, s8;
	s12 =	sadd.s32 s5, s12  }
0x19: {  	s6 =	sshrl.u32 s6, $0x3;
	[dreg:$0xb] =	wrdreg s12;
	s12 =	sadd.s32 s5, s23  }
0x1a: {  	s25 =	sshrl.u32 s24, $0x3;
	s5 =	sadd.s32 s5, s6;
	[dreg:$0xc] =	wrdreg s12  }
0x1b: {  	s24 =	sadd.s32 s9, s15;
	s9 =	sadd.s32 s10, s15;
	[dreg:$0xd] =	wrdreg s5  }
0x1c: {  	s10 =	sadd.s32 s7, s15;
	_ =	strace $0x80000047;
	[dreg:$0xe] =	wrdreg s9  }
0x1d: {  	s7 =	simm.s32 $0x6;
	s26 =	sshrl.u32 s13, $0x3;
	[dreg:$0xf] =	wrdreg s10  }
0x1e: {  	s13 =	sadd.s32 s26, s4;
	s26 =	sadd.s32 $0x2800, s24;
	[dreg:$0x10] =	wrdreg s14  }
0x1f: {  	s21 =	sadd.s32 s11, s15;
	s11 =	simm.s32 $0x180;
	[dreg:$0x11] =	wrdreg s18  }
0x20: {  	s6 =	sor.u32 $0x300, s3;
	s3 =	sor.u32 $0x200, s3;
	[dreg:$0x12] =	wrdreg s21  }
0x21: {  	s23 =	sadd.s32 s8, s15;
	s8 =	simm.s32 $0x4400;
	[dreg:$0x13] =	wrdreg s22  }
0x22: {  	s12 =	sadd.s32 s25, s4;
	s5 =	sshrl.u32 s6, $0x3;
	[dreg:$0x14] =	wrdreg s23  }
0x23: {  	s3 =	sshrl.u32 s3, $0x3;
	s25 =	sadd.s32 $0x20, s20;
	[dreg:$0x15] =	wrdreg s0  }
0x24: {  	s6 =	simm.s32 $0x200;
	s16 =	sadd.s32 s5, s4;
	[dreg:$0x5] =	wrdreg s20  }
.Ltmp0:
0x25: {  	s17 =	sadd.s32 s3, s4;
	[dreg:$0x16] =	wrdreg s25;
	(pc) =	sbr.rel .LBB2_1-.Ltmp0, $4  }
0x26: {  	[dreg:$0x17] =	wrdreg s26;
	s14 =	simm.s32 $0x9;
	s0 =	simm.s32 $0x5  }
0x27: {  	s4 =	simm.s32 $0x7D;
	s5 =	simm.s32 $0x1;
	s3 =	simm.s32 $0x80  }
0x28: {  	s9 =	simm.s32 $0x2;
	s10 =	simm.s32 $0x3;
	s26 =	simm.s32 $0x7  }
0x29: {  	v0 =	vimm.f32 $0.0e+00;
	s20 =	simm.s32 $0x8;
	s21 =	simm.s32 $0x380;
	s22 =	simm.s32 $0x0  }
.LBB2_6:
0x2a: {  	_ =	swait.ge [sflag:s28], $0x3E80  }
0x2b: {  	[sflag:s28] =	ssyncset.done $0x0  }
0x2c: {  	[sflag:s28] =	ssyncadd.s32 $0xFFFFC180  }
0x2d: {  	[bflag:$0x0] =	sbarrier.arrive $0xFFFF  }
0x2e: {  	[tilespmem:s31], [sflag:$0x1] =	stream.linear.gather [spmem:s25], $0x2800, $0x38;
	[tilespmem:$0x1C400] =	vst v63  }
0x2f: {  	_ =	swait.ge [sflag:s5], $0x2800  }
0x30: {  	[sflag:s5] =	ssyncset.done $0x0  }
0x31: {  	s18 =	rddreg [dreg:$0x6];
	[sflag:s5] =	ssyncadd.s32 $0xFFFFD800  }
0x32: {  	[hbm4b:s18+s2] =	stream.linear.scatter [tilespmem:s31], [sflag:$0x3], $0x2800, $0x38;
	[tilespmem:$0x1C400] =	vst v63  }
0x33: {  	s24 =	smov.u32 s25;
	s25 =	rddreg [dreg:$0xe]  }
0x34: {  	[tilespmem:s8], [sflag:$0x2] =	stream.linear.gather [spmem:s25], $0x2800, $0x38;
	[tilespmem:$0x1C400] =	vst v63  }
0x35: {  	_ =	swait.ge [sflag:s9], $0x2800  }
0x36: {  	[sflag:s9] =	ssyncset.done $0x0  }
0x37: {  	s23 =	rddreg [dreg:$0x7];
	[sflag:s9] =	ssyncadd.s32 $0xFFFFD800  }
0x38: {  	[hbm4b:s23+s2] =	stream.linear.scatter [tilespmem:s8], [sflag:$0x4], $0x2800, $0x38;
	[tilespmem:$0x1C400] =	vst v63  }
0x39: {  	_ =	swait.ge [sflag:s10], $0x2800  }
0x3a: {  	[sflag:s10] =	ssyncset.done $0x0  }
0x3b: {  	s25 =	rddreg [dreg:$0xf];
	[sflag:s10] =	ssyncadd.s32 $0xFFFFD800  }
0x3c: {  	[tilespmem:s31], [sflag:$0x1] =	stream.linear.gather [spmem:s25], $0x2800, $0x38;
	[tilespmem:$0x1C400] =	vst v63  }
0x3d: {  	_ =	swait.ge [sflag:s5], $0x2800  }
0x3e: {  	[sflag:s5] =	ssyncset.done $0x0  }
0x3f: {  	s23 =	rddreg [dreg:$0x8];
	[sflag:s5] =	ssyncadd.s32 $0xFFFFD800  }
0x40: {  	[hbm4b:s23+s2] =	stream.linear.scatter [tilespmem:s31], [sflag:$0x3], $0x2800, $0x38;
	[tilespmem:$0x1C400] =	vst v63  }
0x41: {  	_ =	swait.ge [sflag:s28], $0x2800  }
0x42: {  	[sflag:s28] =	ssyncset.done $0x0  }
0x43: {  	s25 =	rddreg [dreg:$0x10];
	[sflag:s28] =	ssyncadd.s32 $0xFFFFD800  }
0x44: {  	[tilespmem:s8], [sflag:$0x2] =	stream.linear.gather [spmem:s25], $0x2800, $0x38;
	[tilespmem:$0x1C400] =	vst v63  }
0x45: {  	_ =	swait.ge [sflag:s9], $0x2800  }
0x46: {  	[sflag:s9] =	ssyncset.done $0x0  }
0x47: {  	s23 =	rddreg [dreg:$0x9];
	[sflag:s9] =	ssyncadd.s32 $0xFFFFD800  }
0x48: {  	[hbm4b:s23+s2] =	stream.linear.scatter [tilespmem:s8], [sflag:$0x4], $0x2800, $0x38;
	[tilespmem:$0x1C400] =	vst v63  }
0x49: {  	_ =	swait.ge [sflag:s10], $0x2800  }
0x4a: {  	[sflag:s10] =	ssyncset.done $0x0  }
0x4b: {  	s25 =	rddreg [dreg:$0x11];
	[sflag:s10] =	ssyncadd.s32 $0xFFFFD800  }
0x4c: {  	[tilespmem:s31], [sflag:$0x1] =	stream.linear.gather [spmem:s25], $0x2800, $0x38;
	[tilespmem:$0x1C400] =	vst v63  }
0x4d: {  	_ =	swait.ge [sflag:s5], $0x2800  }
0x4e: {  	[sflag:s5] =	ssyncset.done $0x0  }
0x4f: {  	s23 =	rddreg [dreg:$0xa];
	[sflag:s5] =	ssyncadd.s32 $0xFFFFD800  }
0x50: {  	[hbm4b:s23+s2] =	stream.linear.scatter [tilespmem:s31], [sflag:$0x3], $0x2800, $0x38;
	[tilespmem:$0x1C400] =	vst v63  }
0x51: {  	_ =	swait.ge [sflag:s28], $0x2800  }
0x52: {  	[sflag:s28] =	ssyncset.done $0x0  }
0x53: {  	s25 =	rddreg [dreg:$0x12];
	[sflag:s28] =	ssyncadd.s32 $0xFFFFD800  }
0x54: {  	[tilespmem:s8], [sflag:$0x2] =	stream.linear.gather [spmem:s25], $0x2800, $0x38;
	[tilespmem:$0x1C400] =	vst v63  }
0x55: {  	_ =	swait.ge [sflag:s9], $0x2800  }
0x56: {  	[sflag:s9] =	ssyncset.done $0x0  }
0x57: {  	s23 =	rddreg [dreg:$0xb];
	[sflag:s9] =	ssyncadd.s32 $0xFFFFD800  }
0x58: {  	[hbm4b:s23+s2] =	stream.linear.scatter [tilespmem:s8], [sflag:$0x4], $0x2800, $0x38;
	[tilespmem:$0x1C400] =	vst v63  }
0x59: {  	_ =	swait.ge [sflag:s10], $0x2800  }
0x5a: {  	[sflag:s10] =	ssyncset.done $0x0  }
0x5b: {  	s25 =	rddreg [dreg:$0x13];
	[sflag:s10] =	ssyncadd.s32 $0xFFFFD800  }
0x5c: {  	[tilespmem:s31], [sflag:$0x1] =	stream.linear.gather [spmem:s25], $0x2800, $0x38;
	[tilespmem:$0x1C400] =	vst v63  }
0x5d: {  	_ =	swait.ge [sflag:s5], $0x2800  }
0x5e: {  	[sflag:s5] =	ssyncset.done $0x0  }
0x5f: {  	s23 =	rddreg [dreg:$0xc];
	[sflag:s5] =	ssyncadd.s32 $0xFFFFD800  }
0x60: {  	[hbm4b:s23+s2] =	stream.linear.scatter [tilespmem:s31], [sflag:$0x3], $0x2800, $0x38;
	[tilespmem:$0x1C400] =	vst v63  }
0x61: {  	_ =	swait.ge [sflag:s28], $0x2800  }
0x62: {  	[sflag:s28] =	ssyncset.done $0x0  }
0x63: {  	s25 =	rddreg [dreg:$0x14];
	[sflag:s28] =	ssyncadd.s32 $0xFFFFD800  }
0x64: {  	[tilespmem:s8], [sflag:$0x2] =	stream.linear.gather [spmem:s25], $0x2800, $0x38;
	[tilespmem:$0x1C400] =	vst v63  }
0x65: {  	_ =	swait.ge [sflag:s9], $0x2800  }
0x66: {  	[sflag:s9] =	ssyncset.done $0x0  }
0x67: {  	s23 =	rddreg [dreg:$0xd];
	[sflag:s9] =	ssyncadd.s32 $0xFFFFD800  }
0x68: {  	[hbm4b:s23+s2] =	stream.linear.scatter [tilespmem:s8], [sflag:$0x4], $0x2800, $0x38;
	[tilespmem:$0x1C400] =	vst v63  }
0x69: {  	_ =	swait.ge [sflag:s10], $0x2800  }
0x6a: {  	[sflag:s10] =	ssyncset.done $0x0  }
0x6b: {  	[sflag:s10] =	ssyncadd.s32 $0xFFFFD800  }
0x6c: {  	_ =	swait.ge [sflag:s28], $0x2800  }
0x6d: {  	s22 =	sadd.s32 $0x1, s22;
	s25 =	rddreg [dreg:$0x15]  }
0x6e: {  	p0 =	sne.s32 s22, s25  }
.Ltmp1:
0x6f: {  	_ = 	snop;
	(pc) =	sbr.rel @!p0 .LBB2_7-.Ltmp1, $3  }
0x70: {  	_ =	sdelay $0x1  }
0x71: {  	[sflag:s28] =	ssyncset.done $0x0  }
0x72: {  	[sflag:s28] =	ssyncadd.s32 $0xFFFFD800  }
.LBB2_1:
0x73: {  	s18 =	rddreg [dreg:$0x5]  }
0x74: {  	[tilespmem:s2], [sflag:$0x5] =	stream.linear.gather [hbm4b:s18+s2], $0x100, $0x38;
	[tilespmem:$0x1C400] =	vst v63  }
0x75: {  	s25 =	rddreg [dreg:$0x16];
	s23 =	simm.s32 $0x3C0;
	s18 =	simm.s32 $0x70  }
0x76: {  	[tilespmem:s30], [sflag:$0x6] =	stream.linear.gather [hbm4b:s25+s2], $0x100, $0x38;
	[tilespmem:$0x1C400] =	vst v63  }
.LBB2_2:
0x77: {  	p0 =	sne.s32 s23, $0x9FC0;
	[tilespmem:s18+$0x400] =	vst v0  }
0x78: {  	[tilespmem:s18+$0x390] =	vst v0  }
0x79: {  	[tilespmem:s18+$0x3A0] =	vst v0  }
.Ltmp2:
0x7a: {  	[tilespmem:s18+$0x3B0] =	vst v0;
	(pc) =	sbr.rel @p0 .LBB2_2-.Ltmp2, $4  }
0x7b: {  	[tilespmem:s18+$0x3C0] =	vst v0  }
0x7c: {  	[tilespmem:s18+$0x3D0] =	vst v0  }
0x7d: {  	[tilespmem:s18+$0x3E0] =	vst v0  }
0x7e: {  	[tilespmem:s18+$0x3F0] =	vst v0;
	s18 =	sshra.s32 s23, $0x2;
	s23 =	sadd.s32 $0x200, s23  }
0x7f: {  	[tilespmem:s18+$0x400] =	vst v0  }
0x80: {  	[tilespmem:s18+$0x390] =	vst v0  }
0x81: {  	[tilespmem:s18+$0x3A0] =	vst v0  }
0x82: {  	[tilespmem:s18+$0x3B0] =	vst v0  }
0x83: {  	[tilespmem:s18+$0x3C0] =	vst v0  }
0x84: {  	[tilespmem:s18+$0x3D0] =	vst v0  }
0x85: {  	[tilespmem:s18+$0x3E0] =	vst v0  }
0x86: {  	[tilespmem:s18+$0x3F0] =	vst v0  }
0x87: {  	[spmem:s24] =	stream.linear.scatter [tilespmem:s31], [sflag:$0x9], $0x2800, $0x38;
	[tilespmem:$0x1C400] =	vst v63  }
0x88: {  	_ =	swait.ge [sflag:s14], $0x2800  }
0x89: {  	[sflag:s14] =	ssyncset.done $0x0  }
0x8a: {  	s25 =	smov.u32 s24;
	s24 =	rddreg [dreg:$0x17];
	[sflag:s14] =	ssyncadd.s32 $0xFFFFD800  }
0x8b: {  	[spmem:s24] =	stream.linear.scatter [tilespmem:s31], [sflag:$0x9], $0x2800, $0x38;
	[tilespmem:$0x1C400] =	vst v63  }
0x8c: {  	_ =	swait.ge [sflag:s14], $0x2800  }
0x8d: {  	[sflag:s14] =	ssyncset.done $0x0  }
0x8e: {  	s23 =	rddreg [dreg:$0xf];
	[sflag:s14] =	ssyncadd.s32 $0xFFFFD800  }
0x8f: {  	[spmem:s23] =	stream.linear.scatter [tilespmem:s31], [sflag:$0x9], $0x2800, $0x38;
	[tilespmem:$0x1C400] =	vst v63  }
0x90: {  	_ =	swait.ge [sflag:s14], $0x2800  }
0x91: {  	[sflag:s14] =	ssyncset.done $0x0  }
0x92: {  	s24 =	rddreg [dreg:$0x10];
	[sflag:s14] =	ssyncadd.s32 $0xFFFFD800  }
0x93: {  	[spmem:s24] =	stream.linear.scatter [tilespmem:s31], [sflag:$0x9], $0x2800, $0x38;
	[tilespmem:$0x1C400] =	vst v63  }
0x94: {  	_ =	swait.ge [sflag:s14], $0x2800  }
0x95: {  	[sflag:s14] =	ssyncset.done $0x0  }
0x96: {  	s23 =	rddreg [dreg:$0x11];
	[sflag:s14] =	ssyncadd.s32 $0xFFFFD800  }
0x97: {  	[spmem:s23] =	stream.linear.scatter [tilespmem:s31], [sflag:$0x9], $0x2800, $0x38;
	[tilespmem:$0x1C400] =	vst v63  }
0x98: {  	_ =	swait.ge [sflag:s14], $0x2800  }
0x99: {  	[sflag:s14] =	ssyncset.done $0x0  }
0x9a: {  	s24 =	rddreg [dreg:$0x12];
	[sflag:s14] =	ssyncadd.s32 $0xFFFFD800  }
0x9b: {  	[spmem:s24] =	stream.linear.scatter [tilespmem:s31], [sflag:$0x9], $0x2800, $0x38;
	[tilespmem:$0x1C400] =	vst v63  }
0x9c: {  	_ =	swait.ge [sflag:s14], $0x2800  }
0x9d: {  	[sflag:s14] =	ssyncset.done $0x0  }
0x9e: {  	s23 =	rddreg [dreg:$0x13];
	[sflag:s14] =	ssyncadd.s32 $0xFFFFD800  }
0x9f: {  	[spmem:s23] =	stream.linear.scatter [tilespmem:s31], [sflag:$0x9], $0x2800, $0x38;
	[tilespmem:$0x1C400] =	vst v63  }
0xa0: {  	_ =	swait.ge [sflag:s14], $0x2800  }
0xa1: {  	[sflag:s14] =	ssyncset.done $0x0  }
0xa2: {  	s24 =	rddreg [dreg:$0x14];
	[sflag:s14] =	ssyncadd.s32 $0xFFFFD800  }
0xa3: {  	[spmem:s24] =	stream.linear.scatter [tilespmem:s31], [sflag:$0x9], $0x2800, $0x38;
	[tilespmem:$0x1C400] =	vst v63  }
0xa4: {  	_ =	swait.ge [sflag:s14], $0x2800  }
0xa5: {  	[sflag:s14] =	ssyncset.done $0x0  }
0xa6: {  	[sflag:s14] =	ssyncadd.s32 $0xFFFFD800  }
0xa7: {  	[bflag:$0x0] =	sbarrier.arrive $0xFFFF  }
0xa8: {  	_ =	swait.ge [sflag:s0], $0x100  }
0xa9: {  	[sflag:s0] =	ssyncset.done $0x0  }
0xaa: {  	s18 =	simm.s32 $0x0;
	[sflag:s0] =	ssyncadd.s32 $0xFFFFFF00  }
0xab: {  	[tilespmem:s31], [sflag:$0x1] =	stream.indirect.gather [hbm4b:s1+s4], $0x80, s18, s4, $0xb8;
	[tilespmem:$0x1C400] =	vst v63  }
.LBB2_4:
0xac: {  	_ =	swait.ge [sflag:s5], $0x3E80  }
0xad: {  	p0 =	seq.s32 s18, $0x0;
	[sflag:s5] =	ssyncset.done $0x0  }
0xae: {  	s23 =	simm.s32 @!p0 $0x4;
	[sflag:s5] =	ssyncadd.s32 $0xFFFFC180  }
0xaf: {  	_ =	swait.ge @!p0 [sflag:s23], $0x3E80  }
0xb0: {  	[sflag:s23] =	ssyncset.done @!p0 $0x0  }
0xb1: {  	[sflag:s23] =	ssyncadd.s32 @!p0 $0xFFFFC180  }
0xb2: {  	[spmem:s15] =	stream.indirect.scatter.add.f32 [tilespmem:s31], [sflag:$0x3], $0x80, s3, s4, $0xb8;
	[tilespmem:$0x1C400] =	vst v63  }
0xb3: {  	s24 =	sadd.s32 s18, s17  }
0xb4: {  	[tilespmem:s6], [sflag:$0x7] =	stream.linear.gather [hbm4b:s24+s2], $0x100, $0x38;
	[tilespmem:$0x1C400] =	vst v63  }
0xb5: {  	_ =	swait.ge [sflag:s7], $0x100  }
0xb6: {  	[sflag:s7] =	ssyncset.done $0x0  }
0xb7: {  	[sflag:s7] =	ssyncadd.s32 $0xFFFFFF00  }
0xb8: {  	[tilespmem:s8], [sflag:$0x2] =	stream.indirect.gather [hbm4b:s1+s4], $0x80, s30, s4, $0xb8;
	[tilespmem:$0x1C400] =	vst v63  }
0xb9: {  	_ =	swait.ge [sflag:s9], $0x3E80  }
0xba: {  	[sflag:s9] =	ssyncset.done $0x0  }
0xbb: {  	[sflag:s9] =	ssyncadd.s32 $0xFFFFC180  }
0xbc: {  	_ =	swait.ge [sflag:s10], $0x3E80  }
0xbd: {  	[sflag:s10] =	ssyncset.done $0x0  }
0xbe: {  	[sflag:s10] =	ssyncadd.s32 $0xFFFFC180  }
0xbf: {  	[spmem:s15] =	stream.indirect.scatter.add.f32 [tilespmem:s8], [sflag:$0x4], $0x80, s11, s4, $0xb8;
	[tilespmem:$0x1C400] =	vst v63  }
0xc0: {  	s24 =	sadd.s32 s18, s16  }
0xc1: {  	[tilespmem:s19], [sflag:$0x8] =	stream.linear.gather [hbm4b:s24+s2], $0x100, $0x38;
	[tilespmem:$0x1C400] =	vst v63  }
0xc2: {  	_ =	swait.ge [sflag:s26], $0x100  }
0xc3: {  	[sflag:s26] =	ssyncset.done $0x0  }
0xc4: {  	[sflag:s26] =	ssyncadd.s32 $0xFFFFFF00  }
0xc5: {  	[tilespmem:s31], [sflag:$0x1] =	stream.indirect.gather [hbm4b:s1+s4], $0x80, s6, s4, $0xb8;
	[tilespmem:$0x1C400] =	vst v63  }
0xc6: {  	_ =	swait.ge [sflag:s5], $0x3E80  }
0xc7: {  	[sflag:s5] =	ssyncset.done $0x0  }
0xc8: {  	[sflag:s5] =	ssyncadd.s32 $0xFFFFC180  }
0xc9: {  	_ =	swait.ge [sflag:s28], $0x3E80  }
0xca: {  	[sflag:s28] =	ssyncset.done $0x0  }
0xcb: {  	p0 =	seq.s32 s18, $0x980;
	[sflag:s28] =	ssyncadd.s32 $0xFFFFC180  }
0xcc: {  	[spmem:s15] =	stream.indirect.scatter.add.f32 [tilespmem:s31], [sflag:$0x3], $0x80, s29, s4, $0xb8;
	[tilespmem:$0x1C400] =	vst v63  }
0xcd: {  	s23 =	sadd.s32 @!p0 s18, s13;
	s24 =	simm.s32 @!p0 $0x0  }
0xce: {  	[tilespmem:s24], [sflag:$0x5] =	stream.linear.gather @!p0 [hbm4b:s23+s24], $0x100, $0x38;
	[tilespmem:$0x1C400] =	vst v63  }
0xcf: {  	_ =	swait.ge [sflag:s20], $0x100  }
0xd0: {  	[sflag:s20] =	ssyncset.done $0x0  }
0xd1: {  	[sflag:s20] =	ssyncadd.s32 $0xFFFFFF00  }
0xd2: {  	[tilespmem:s8], [sflag:$0x2] =	stream.indirect.gather [hbm4b:s1+s4], $0x80, s19, s4, $0xb8;
	[tilespmem:$0x1C400] =	vst v63  }
0xd3: {  	_ =	swait.ge [sflag:s9], $0x3E80  }
0xd4: {  	[sflag:s9] =	ssyncset.done $0x0  }
.Ltmp3:
0xd5: {  	[sflag:s9] =	ssyncadd.s32 $0xFFFFC180;
	(pc) =	sbr.rel @p0 .LBB2_6-.Ltmp3, $4  }
0xd6: {  	_ =	swait.ge [sflag:s10], $0x3E80  }
0xd7: {  	[sflag:s10] =	ssyncset.done $0x0  }
0xd8: {  	[sflag:s10] =	ssyncadd.s32 $0xFFFFC180  }
0xd9: {  	[spmem:s15] =	stream.indirect.scatter.add.f32 [tilespmem:s8], [sflag:$0x4], $0x80, s21, s4, $0xb8;
	[tilespmem:$0x1C400] =	vst v63  }
0xda: {  	s23 =	sadd.s32 s18, s12  }
0xdb: {  	[tilespmem:s30], [sflag:$0x6] =	stream.linear.gather [hbm4b:s23+s2], $0x100, $0x38;
	[tilespmem:$0x1C400] =	vst v63  }
.Ltmp4:
0xdc: {  	_ = 	snop;
	(pc) =	sbr.rel .LBB2_4-.Ltmp4, $4  }
0xdd: {  	_ =	swait.ge [sflag:s0], $0x100  }
0xde: {  	[sflag:s0] =	ssyncset.done $0x0  }
0xdf: {  	s18 =	sadd.s32 $0x80, s18;
	[sflag:s0] =	ssyncadd.s32 $0xFFFFFF00  }
0xe0: {  	[tilespmem:s31], [sflag:$0x1] =	stream.indirect.gather [hbm4b:s1+s4], $0x80, s2, s4, $0xb8;
	[tilespmem:$0x1C400] =	vst v63  }
.LBB2_7:
0xe1: {  	_ =	sfence.sel $0x180000  }
0xe2: {  	[bflag:$0x0] =	sbarrier.arrive $0xFFFF  }
0xe3: {  	_ =	strace $0x90000047  }
0xe4: {  	s0 =	stileid.u32;
	[bflag:$0x2] =	sbarrier.arrive $0xFFFF  }
0xe5: {  	p0 =	sne.s32 s0, $0x0;
	s0 =	rddreg [dreg:$0x4]  }
0xe6: {  	s0 =	sadd.s32 @!p0 $0x100000, s0  }
0xe7: {  	[sflag:s0] =	ssyncadd.tile.s32 @!p0 $0x1;
	_ =	shalt  }
.Lfunc_end2:
_tile_overlayer_lowered:
.L_overlay_start_2:
0xe8: {  	(tag) =	ssettag $0x2  }
0xe9: {  	s0 =	rddreg [dreg:$0x0];
	s2 =	stileid.u32  }
0xea: {  	s1 =	rddreg [dreg:$0x1];
	p0 =	sne.s32 s2, $0x0  }
0xeb: {  	s3 =	rddreg [dreg:$0x2];
	[bflag:$0x3] =	sbarrier.arrive $0xFFFF;
	s2 =	simm.s32 @!p0 $0x1C09  }
0xec: {  	[timem:s3], [sflag:s2] =	dma.local @!p0 [hbm:s0], s1  }
0xed: {  	s0 =	simm.s32 @!p0 $0x9  }
0xee: {  	_ =	swait.ge @!p0 [sflag:s0], s1  }
0xef: {  	s1 =	ssub.s32 @!p0 $0x0, s1;
	[sflag:s0] =	ssyncset.done @!p0 $0x0  }
0xf0: {  	[sflag:s0] =	ssyncadd.s32 @!p0 s1  }
0xf1: {  	[bflag:$0x3] =	sbarrier.arrive $0xFFFF  }
0xf2: {  	_ =	shalt  }

</sc_bundles>
